<compile_context>
chip_gen: v7x
topology: tpu7x:2x2x1
jax: 0.10.2.dev20260603
libtpu: 0.0.44.dev20260713+nightly
codegen_flags: <defaults>
</compile_context>

<pallas_src>
import functools

import jax
import jax.numpy as jnp
from jax import lax
from jax.experimental import pallas as pl
from jax.experimental.pallas import tpu as pltpu
from jax.experimental.pallas import tpu_sc as plsc

_BETA = 0.8
_LAMBDA_P = 1.0
_LAMBDA_N = 0.1
_U_LOW = 0.02
_U_UP = 0.1
_W_LOW = 0.2
_W_UP = 0.8
_K = -(_W_UP - _W_LOW) / (_U_UP - _U_LOW)
_B = _W_LOW - _K * _U_UP

_N = 16 * 512 * 512
_COLS = 512
_ROWS = _N // _COLS
_NC = 2
_NS = 16
_NW = _NC * _NS

_S_ROWS = 2048
_RW = _S_ROWS // _NW
_CR = 32
_NCHUNK = _RW // _CR
_L = 16
_NSET = 4
_NACC = 6
_PROW = _NACC * _L

_BR = 512
_TGRID = (_ROWS - _S_ROWS) // _BR


def _stat_vals(r, labf, u):
    rp = r * labf
    rn = r - rp
    t = _K * u + _B
    w = jnp.maximum(t, _W_LOW)
    w = jnp.where(t > _W_UP, 1.0, w)
    return (labf, rp, rp * r, r, r * r, rn * w)


def _partials_body(r_hbm, lab_hbm, u_hbm, out_hbm,
                   rb0, lb0, ub0, rb1, lb1, ub1, stage, sem0, sem1):
    wid = lax.axis_index("s") * _NC + lax.axis_index("c")
    row0 = wid * _RW
    bufs = ((rb0, lb0, ub0, sem0), (rb1, lb1, ub1, sem1))

    def start(c):
        rb, lb, ub, sem = bufs[c % 2]
        r0 = row0 + c * _CR
        return (pltpu.async_copy(r_hbm.at[pl.ds(r0, _CR), :], rb, sem),
                pltpu.async_copy(lab_hbm.at[pl.ds(r0, _CR), :], lb, sem),
                pltpu.async_copy(u_hbm.at[pl.ds(r0, _CR), :], ub, sem))

    _BSTEPS = 4
    _BLK = _COLS // (_L * _BSTEPS)

    def chunk_accum(rb, lb, ub, acc):
        def body(i, acc):
            accl = list(acc)
            row = i // _BLK
            col0 = (i % _BLK) * (_L * _BSTEPS)
            for j in range(_BSTEPS):
                col = col0 + j * _L
                r = rb[row, pl.ds(col, _L)]
                labf = lb[row, pl.ds(col, _L)].astype(jnp.float32)
                u = ub[row, pl.ds(col, _L)]
                s = (j % _NSET) * _NACC
                vals = _stat_vals(r, labf, u)
                accl[s:s + _NACC] = [a + v for a, v in zip(accl[s:s + _NACC], vals)]
            return tuple(accl)
        return lax.fori_loop(0, _CR * _BLK, body, acc)

    zero = jnp.zeros((_L,), jnp.float32)
    acc = (zero,) * (_NACC * _NSET)

    handles = start(0)
    for c in range(_NCHUNK):
        for h in handles:
            h.wait()
        if c + 1 < _NCHUNK:
            nxt = start(c + 1)
        rb, lb, ub, _ = bufs[c % 2]
        acc = chunk_accum(rb, lb, ub, acc)
        if c + 1 < _NCHUNK:
            handles = nxt

    for k in range(_NACC):
        tot = acc[k]
        for s in range(1, _NSET):
            tot = tot + acc[s * _NACC + k]
        stage[pl.ds(k * _L, _L)] = tot
    pltpu.sync_copy(stage, out_hbm.at[wid])


_partials_kernel = functools.partial(
    pl.kernel,
    out_type=jax.ShapeDtypeStruct((_NW, _PROW), jnp.float32),
    mesh=plsc.VectorSubcoreMesh(core_axis_name="c", subcore_axis_name="s"),
    scratch_types=[
        pltpu.VMEM((_CR, _COLS), jnp.float32),
        pltpu.VMEM((_CR, _COLS), jnp.int32),
        pltpu.VMEM((_CR, _COLS), jnp.float32),
        pltpu.VMEM((_CR, _COLS), jnp.float32),
        pltpu.VMEM((_CR, _COLS), jnp.int32),
        pltpu.VMEM((_CR, _COLS), jnp.float32),
        pltpu.VMEM((_PROW,), jnp.float32),
        pltpu.SemaphoreType.DMA,
        pltpu.SemaphoreType.DMA,
    ],
)(_partials_body)


def _tc_body(r_ref, lab_ref, u_ref, o_ref, acc_ref):
    i = pl.program_id(0)

    @pl.when(i == 0)
    def _():
        acc_ref[...] = jnp.zeros_like(acc_ref)

    def strip(s, accs):
        rows = pl.ds(s * 8, 8)
        vals = _stat_vals(r_ref[rows, :],
                          lab_ref[rows, :].astype(jnp.float32),
                          u_ref[rows, :])
        return tuple(a + v for a, v in zip(accs, vals))

    accs = lax.fori_loop(0, _BR // 8, strip,
                         tuple(acc_ref[k] for k in range(_NACC)))
    for k in range(_NACC):
        acc_ref[k] = accs[k]

    @pl.when(i == _TGRID - 1)
    def _():
        for k in range(_NACC):
            o_ref[k] = jnp.sum(acc_ref[k])


_tc_partial = pl.pallas_call(
    _tc_body,
    grid=(_TGRID,),
    in_specs=[
        pl.BlockSpec((_BR, _COLS), lambda i: (_S_ROWS // _BR + i, 0)),
        pl.BlockSpec((_BR, _COLS), lambda i: (_S_ROWS // _BR + i, 0)),
        pl.BlockSpec((_BR, _COLS), lambda i: (_S_ROWS // _BR + i, 0)),
    ],
    out_specs=pl.BlockSpec(memory_space=pltpu.SMEM),
    out_shape=jax.ShapeDtypeStruct((_NACC,), jnp.float32),
    scratch_shapes=[pltpu.VMEM((_NACC, 8, _COLS), jnp.float32)],
)


def _finish_body(p_ref, t_ref, o_ref):
    p = p_ref[...]
    s = [jnp.sum(p[:, k * _L:(k + 1) * _L]) + t_ref[k] for k in range(_NACC)]
    n_pos, s_rp, s_r2p, s_r, s_r2, s_rwn = s
    n_neg = _N - n_pos
    mean_p = s_rp / n_pos
    var_p = (s_r2p - s_rp * s_rp / n_pos) / (n_pos - 1.0)
    s_rn = s_r - s_rp
    s_r2n = s_r2 - s_r2p
    mean_n = s_rwn / n_neg
    var_n = (s_r2n - s_rn * s_rn / n_neg) / (n_neg - 1.0)
    loss = (jnp.maximum(_BETA - mean_p, 0.0) + _LAMBDA_N * var_p
            + mean_n + _LAMBDA_P * var_n)
    o_ref[0] = loss


_finish = pl.pallas_call(
    _finish_body,
    in_specs=[
        pl.BlockSpec(memory_space=pltpu.VMEM),
        pl.BlockSpec(memory_space=pltpu.SMEM),
    ],
    out_specs=pl.BlockSpec(memory_space=pltpu.SMEM),
    out_shape=jax.ShapeDtypeStruct((1,), jnp.float32),
)


def kernel(residues, pixel_level_labels, uncertainty_maps):
    r = residues.reshape(_ROWS, _COLS)
    lab = pixel_level_labels.reshape(_ROWS, _COLS).astype(jnp.int32)
    u = uncertainty_maps.reshape(_ROWS, _COLS)
    tc_parts = _tc_partial(r, lab, u)
    sc_parts = _partials_kernel(r, lab, u)
    return _finish(sc_parts, tc_parts)

# --- scband reference (transcript-rebuilt; emitter-appended) ---
"""Pipeline reference for scband-uncertainty-ttest-loss-v1-66846870995138 (READ-ONLY COPY).

The authoritative reference and input builder live on the scoring server;
editing this copy changes nothing except your own understanding.
"""

import jax, jax.numpy as jnp
import numpy as np

BETA = 0.8
LAMBDA_P = 1.0
LAMBDA_N = 0.1
U_LOW = 0.02
U_UP = 0.1
W_LOW = 0.2
W_UP = 0.8
K = -(W_UP - W_LOW) / (U_UP - U_LOW)
B = W_LOW - K * U_UP


def setup_inputs(seed: int = 0) -> dict:
    key = jax.random.key(seed)
    k1, k2, k3 = jax.random.split(key, 3)
    residues = jax.random.uniform(k1, (16, 1, 512, 512), dtype=jnp.float32)
    pixel_level_labels = jax.random.randint(k2, (16, 1, 512, 512), 0, 2, dtype=jnp.int64)
    uncertainty_maps = jax.random.uniform(k3, (16, 1, 512, 512), dtype=jnp.float32)
    return {"residues": residues, "pixel_level_labels": pixel_level_labels, "uncertainty_maps": uncertainty_maps}


def reference(residues, pixel_level_labels, uncertainty_maps):
    r = residues.reshape(-1)
    lab = pixel_level_labels.reshape(-1)
    u = uncertainty_maps.reshape(-1)
    pos = lab.astype(bool)
    neg = ~pos
    posf = pos.astype(r.dtype)
    negf = neg.astype(r.dtype)
    n_pos = posf.sum()
    n_neg = negf.sum()

    loss = jnp.zeros((), dtype=r.dtype)

    # positive branch (counts > 1 with high probability at this scale)
    mean_p = (r * posf).sum() / n_pos
    loss = loss + jnp.maximum(BETA - mean_p, 0.0)
    var_p = (((r - mean_p) ** 2) * posf).sum() / (n_pos - 1.0)  # unbiased var over positive subset
    loss = loss + LAMBDA_N * var_p

    # negative branch
    w = K * u + B
    w = jnp.where(u < U_LOW, 1.0, w)
    w = jnp.where(u > U_UP, W_LOW, w)
    mean_n = (r * w * negf).sum() / n_neg
    loss = loss + mean_n
    mean_rn = (r * negf).sum() / n_neg
    var_n = (((r - mean_rn) ** 2) * negf).sum() / (n_neg - 1.0)  # unbiased var over negative subset
    loss = loss + LAMBDA_P * var_n

    return loss.reshape((1,))

if __name__ == "__main__":
    import jax
    _d = setup_inputs()
    print(jax.jit(kernel)(*tuple(_d.values())))

</pallas_src>

<mosaic_0001>
#map = affine_map<(d0, d1) -> (0, 0)>
module attributes {stable_mosaic.version = 14 : i64} {
  func.func @_partials_body(%arg0: i32, %arg1: i32, %arg2: memref<8192x512xf32, #tpu.memory_space<hbm>>, %arg3: memref<8192x512xi32, #tpu.memory_space<hbm>>, %arg4: memref<8192x512xf32, #tpu.memory_space<hbm>>, %arg5: memref<32x96xf32, #tpu.memory_space<hbm>>, %arg6: memref<32x512xf32, #tpu.memory_space<vmem>>, %arg7: memref<32x512xi32, #tpu.memory_space<vmem>>, %arg8: memref<32x512xf32, #tpu.memory_space<vmem>>, %arg9: memref<32x512xf32, #tpu.memory_space<vmem>>, %arg10: memref<32x512xi32, #tpu.memory_space<vmem>>, %arg11: memref<32x512xf32, #tpu.memory_space<vmem>>, %arg12: memref<96xf32, #tpu.memory_space<vmem>>, %arg13: memref<!tpu.dma_semaphore, #tpu.memory_space<semaphore_mem>>, %arg14: memref<!tpu.dma_semaphore, #tpu.memory_space<semaphore_mem>>) attributes {dimension_semantics = [#tpu.dimension_semantics<core_parallel>, #tpu.dimension_semantics<subcore_parallel>], iteration_bounds = array<i64: 2, 16>, scalar_prefetch = 0 : i64, scratch_operands = 9 : i64, tpu.core_type = #tpu.core_type<sc_vector_subcore>, window_params = [{transform_indices = #map}, {transform_indices = #map}, {transform_indices = #map}, {transform_indices = #map}]} {
    %mul3A = arith.constant 2 : i32
    %mul3A_0 = arith.muli %arg1, %mul3A : i32
    %add3A = arith.addi %mul3A_0, %arg0 : i32
    %mul3A_1 = arith.constant 64 : i32
    %mul3A_2 = arith.muli %add3A, %mul3A_1 : i32
    %broadcast_in_dim3A = arith.constant 0.000000e+00 : f32
    %broadcast_in_dim3A_3 = vector.broadcast %broadcast_in_dim3A : f32 to vector<16xf32>
    %add3A_4 = arith.constant 0 : i32
    %add3A_5 = arith.addi %mul3A_2, %add3A_4 : i32
    %dma_start3A = arith.constant 0 : i32
    %dma_start3A_6 = tpu.memref_slice %arg2[%add3A_5, %dma_start3A] : memref<8192x512xf32, #tpu.memory_space<hbm>> -> memref<32x512xf32, #tpu.memory_space<hbm>>
    %dma_start3A_7 = arith.constant 0 : i32
    %dma_start3A_8 = tpu.memref_slice %arg2[%add3A_5, %dma_start3A_7] : memref<8192x512xf32, #tpu.memory_space<hbm>> -> memref<32x512xf32, #tpu.memory_space<hbm>>
    tpu.enqueue_dma source(%dma_start3A_8 : memref<32x512xf32, #tpu.memory_space<hbm>>) target(%arg6 : memref<32x512xf32, #tpu.memory_space<vmem>>) target_semaphore(%arg13 : memref<!tpu.dma_semaphore, #tpu.memory_space<semaphore_mem>>)
    %dma_start3A_9 = arith.constant 0 : i32
    %dma_start3A_10 = tpu.memref_slice %arg3[%add3A_5, %dma_start3A_9] : memref<8192x512xi32, #tpu.memory_space<hbm>> -> memref<32x512xi32, #tpu.memory_space<hbm>>
    %dma_start3A_11 = arith.constant 0 : i32
    %dma_start3A_12 = tpu.memref_slice %arg3[%add3A_5, %dma_start3A_11] : memref<8192x512xi32, #tpu.memory_space<hbm>> -> memref<32x512xi32, #tpu.memory_space<hbm>>
    tpu.enqueue_dma source(%dma_start3A_12 : memref<32x512xi32, #tpu.memory_space<hbm>>) target(%arg7 : memref<32x512xi32, #tpu.memory_space<vmem>>) target_semaphore(%arg13 : memref<!tpu.dma_semaphore, #tpu.memory_space<semaphore_mem>>)
    %dma_start3A_13 = arith.constant 0 : i32
    %dma_start3A_14 = tpu.memref_slice %arg4[%add3A_5, %dma_start3A_13] : memref<8192x512xf32, #tpu.memory_space<hbm>> -> memref<32x512xf32, #tpu.memory_space<hbm>>
    %dma_start3A_15 = arith.constant 0 : i32
    %dma_start3A_16 = tpu.memref_slice %arg4[%add3A_5, %dma_start3A_15] : memref<8192x512xf32, #tpu.memory_space<hbm>> -> memref<32x512xf32, #tpu.memory_space<hbm>>
    tpu.enqueue_dma source(%dma_start3A_16 : memref<32x512xf32, #tpu.memory_space<hbm>>) target(%arg8 : memref<32x512xf32, #tpu.memory_space<vmem>>) target_semaphore(%arg13 : memref<!tpu.dma_semaphore, #tpu.memory_space<semaphore_mem>>)
    %dma_wait3A = arith.constant 0 : i32
    %dma_wait3A_17 = tpu.memref_slice %arg2[%add3A_5, %dma_wait3A] : memref<8192x512xf32, #tpu.memory_space<hbm>> -> memref<32x512xf32, #tpu.memory_space<hbm>>
    %dma_wait3A_18 = arith.constant 0 : i32
    %dma_wait3A_19 = tpu.memref_slice %arg2[%add3A_5, %dma_wait3A_18] : memref<8192x512xf32, #tpu.memory_space<hbm>> -> memref<32x512xf32, #tpu.memory_space<hbm>>
    tpu.wait_dma2 semaphore(%arg13 : memref<!tpu.dma_semaphore, #tpu.memory_space<semaphore_mem>>) src(%dma_wait3A_19 : memref<32x512xf32, #tpu.memory_space<hbm>>) dst(%arg6 : memref<32x512xf32, #tpu.memory_space<vmem>>)
    %dma_wait3A_20 = arith.constant 0 : i32
    %dma_wait3A_21 = tpu.memref_slice %arg3[%add3A_5, %dma_wait3A_20] : memref<8192x512xi32, #tpu.memory_space<hbm>> -> memref<32x512xi32, #tpu.memory_space<hbm>>
    %dma_wait3A_22 = arith.constant 0 : i32
    %dma_wait3A_23 = tpu.memref_slice %arg3[%add3A_5, %dma_wait3A_22] : memref<8192x512xi32, #tpu.memory_space<hbm>> -> memref<32x512xi32, #tpu.memory_space<hbm>>
    tpu.wait_dma2 semaphore(%arg13 : memref<!tpu.dma_semaphore, #tpu.memory_space<semaphore_mem>>) src(%dma_wait3A_23 : memref<32x512xi32, #tpu.memory_space<hbm>>) dst(%arg7 : memref<32x512xi32, #tpu.memory_space<vmem>>)
    %dma_wait3A_24 = arith.constant 0 : i32
    %dma_wait3A_25 = tpu.memref_slice %arg4[%add3A_5, %dma_wait3A_24] : memref<8192x512xf32, #tpu.memory_space<hbm>> -> memref<32x512xf32, #tpu.memory_space<hbm>>
    %dma_wait3A_26 = arith.constant 0 : i32
    %dma_wait3A_27 = tpu.memref_slice %arg4[%add3A_5, %dma_wait3A_26] : memref<8192x512xf32, #tpu.memory_space<hbm>> -> memref<32x512xf32, #tpu.memory_space<hbm>>
    tpu.wait_dma2 semaphore(%arg13 : memref<!tpu.dma_semaphore, #tpu.memory_space<semaphore_mem>>) src(%dma_wait3A_27 : memref<32x512xf32, #tpu.memory_space<hbm>>) dst(%arg8 : memref<32x512xf32, #tpu.memory_space<vmem>>)
    %add3A_28 = arith.constant 32 : i32
    %add3A_29 = arith.addi %mul3A_2, %add3A_28 : i32
    %dma_start3A_30 = arith.constant 0 : i32
    %dma_start3A_31 = tpu.memref_slice %arg2[%add3A_29, %dma_start3A_30] : memref<8192x512xf32, #tpu.memory_space<hbm>> -> memref<32x512xf32, #tpu.memory_space<hbm>>
    %dma_start3A_32 = arith.constant 0 : i32
    %dma_start3A_33 = tpu.memref_slice %arg2[%add3A_29, %dma_start3A_32] : memref<8192x512xf32, #tpu.memory_space<hbm>> -> memref<32x512xf32, #tpu.memory_space<hbm>>
    tpu.enqueue_dma source(%dma_start3A_33 : memref<32x512xf32, #tpu.memory_space<hbm>>) target(%arg9 : memref<32x512xf32, #tpu.memory_space<vmem>>) target_semaphore(%arg14 : memref<!tpu.dma_semaphore, #tpu.memory_space<semaphore_mem>>)
    %dma_start3A_34 = arith.constant 0 : i32
    %dma_start3A_35 = tpu.memref_slice %arg3[%add3A_29, %dma_start3A_34] : memref<8192x512xi32, #tpu.memory_space<hbm>> -> memref<32x512xi32, #tpu.memory_space<hbm>>
    %dma_start3A_36 = arith.constant 0 : i32
    %dma_start3A_37 = tpu.memref_slice %arg3[%add3A_29, %dma_start3A_36] : memref<8192x512xi32, #tpu.memory_space<hbm>> -> memref<32x512xi32, #tpu.memory_space<hbm>>
    tpu.enqueue_dma source(%dma_start3A_37 : memref<32x512xi32, #tpu.memory_space<hbm>>) target(%arg10 : memref<32x512xi32, #tpu.memory_space<vmem>>) target_semaphore(%arg14 : memref<!tpu.dma_semaphore, #tpu.memory_space<semaphore_mem>>)
    %dma_start3A_38 = arith.constant 0 : i32
    %dma_start3A_39 = tpu.memref_slice %arg4[%add3A_29, %dma_start3A_38] : memref<8192x512xf32, #tpu.memory_space<hbm>> -> memref<32x512xf32, #tpu.memory_space<hbm>>
    %dma_start3A_40 = arith.constant 0 : i32
    %dma_start3A_41 = tpu.memref_slice %arg4[%add3A_29, %dma_start3A_40] : memref<8192x512xf32, #tpu.memory_space<hbm>> -> memref<32x512xf32, #tpu.memory_space<hbm>>
    tpu.enqueue_dma source(%dma_start3A_41 : memref<32x512xf32, #tpu.memory_space<hbm>>) target(%arg11 : memref<32x512xf32, #tpu.memory_space<vmem>>) target_semaphore(%arg14 : memref<!tpu.dma_semaphore, #tpu.memory_space<semaphore_mem>>)
    %scan3A = arith.constant 0 : i32
    %scan3A_42 = arith.constant 256 : i32
    %scan3A_43 = arith.addi %scan3A, %scan3A_42 : i32
    %scan3A_44 = arith.constant 1 : i32
    %scan3A_45:24 = scf.for %scan3A_106 = %scan3A to %scan3A_43 step %scan3A_44 iter_args(%scan3A_107 = %broadcast_in_dim3A_3, %scan3A_108 = %broadcast_in_dim3A_3, %scan3A_109 = %broadcast_in_dim3A_3, %scan3A_110 = %broadcast_in_dim3A_3, %scan3A_111 = %broadcast_in_dim3A_3, %scan3A_112 = %broadcast_in_dim3A_3, %scan3A_113 = %broadcast_in_dim3A_3, %scan3A_114 = %broadcast_in_dim3A_3, %scan3A_115 = %broadcast_in_dim3A_3, %scan3A_116 = %broadcast_in_dim3A_3, %scan3A_117 = %broadcast_in_dim3A_3, %scan3A_118 = %broadcast_in_dim3A_3, %scan3A_119 = %broadcast_in_dim3A_3, %scan3A_120 = %broadcast_in_dim3A_3, %scan3A_121 = %broadcast_in_dim3A_3, %scan3A_122 = %broadcast_in_dim3A_3, %scan3A_123 = %broadcast_in_dim3A_3, %scan3A_124 = %broadcast_in_dim3A_3, %scan3A_125 = %broadcast_in_dim3A_3, %scan3A_126 = %broadcast_in_dim3A_3, %scan3A_127 = %broadcast_in_dim3A_3, %scan3A_128 = %broadcast_in_dim3A_3, %scan3A_129 = %broadcast_in_dim3A_3, %scan3A_130 = %broadcast_in_dim3A_3) -> (vector<16xf32>, vector<16xf32>, vector<16xf32>, vector<16xf32>, vector<16xf32>, vector<16xf32>, vector<16xf32>, vector<16xf32>, vector<16xf32>, vector<16xf32>, vector<16xf32>, vector<16xf32>, vector<16xf32>, vector<16xf32>, vector<16xf32>, vector<16xf32>, vector<16xf32>, vector<16xf32>, vector<16xf32>, vector<16xf32>, vector<16xf32>, vector<16xf32>, vector<16xf32>, vector<16xf32>)  : i32 {
      %jit3A = arith.constant 8 : i32
      %div3A = arith.divsi %scan3A_106, %jit3A : i32
      %sign3A = arith.constant 0 : i32
      %sign3A_131 = arith.cmpi sgt, %scan3A_106, %sign3A : i32
      %sign3A_132 = arith.extui %sign3A_131 : i1 to i32
      %sign3A_133 = arith.constant 0 : i32
      %sign3A_134 = arith.cmpi slt, %scan3A_106, %sign3A_133 : i32
      %sign3A_135 = arith.extui %sign3A_134 : i1 to i32
      %sign3A_136 = arith.subi %sign3A_132, %sign3A_135 : i32
      %sign3A_137 = arith.constant 0 : i32
      %sign3A_138 = arith.cmpi sgt, %jit3A, %sign3A_137 : i32
      %sign3A_139 = arith.extui %sign3A_138 : i1 to i32
      %sign3A_140 = arith.constant 0 : i32
      %sign3A_141 = arith.cmpi slt, %jit3A, %sign3A_140 : i32
      %sign3A_142 = arith.extui %sign3A_141 : i1 to i32
      %sign3A_143 = arith.subi %sign3A_139, %sign3A_142 : i32
      %ne3A = arith.cmpi ne, %sign3A_136, %sign3A_143 : i32
      %rem3A = arith.remsi %scan3A_106, %jit3A : i32
      %ne3A_144 = arith.constant 0 : i32
      %ne3A_145 = arith.cmpi ne, %rem3A, %ne3A_144 : i32
      %and3A = arith.andi %ne3A, %ne3A_145 : i1
      %sub3A = arith.constant 1 : i32
      %sub3A_146 = arith.subi %div3A, %sub3A : i32
      %select_n3A = arith.select %and3A, %sub3A_146, %div3A : i32
      %jit3A_147 = arith.constant 8 : i32
      %eq3A = arith.constant 0 : i32
      %eq3A_148 = arith.cmpi eq, %jit3A_147, %eq3A : i32
      %jit3A_149 = arith.constant 1 : i32
      %select_n3A_150 = arith.select %eq3A_148, %jit3A_149, %jit3A_147 : i32
      %rem3A_151 = arith.remsi %scan3A_106, %select_n3A_150 : i32
      %ne3A_152 = arith.constant 0 : i32
      %ne3A_153 = arith.cmpi ne, %rem3A_151, %ne3A_152 : i32
      %lt3A = arith.constant 0 : i32
      %lt3A_154 = arith.cmpi slt, %rem3A_151, %lt3A : i32
      %lt3A_155 = arith.constant 0 : i32
      %lt3A_156 = arith.cmpi slt, %select_n3A_150, %lt3A_155 : i32
      %ne3A_157 = arith.xori %lt3A_154, %lt3A_156 : i1
      %and3A_158 = arith.andi %ne3A_157, %ne3A_153 : i1
      %add3A_159 = arith.addi %rem3A_151, %select_n3A_150 : i32
      %select_n3A_160 = arith.select %and3A_158, %add3A_159, %rem3A_151 : i32
      %mul3A_161 = arith.constant 64 : i32
      %mul3A_162 = arith.muli %select_n3A_160, %mul3A_161 : i32
      %add3A_163 = arith.constant 0 : i32
      %add3A_164 = arith.addi %mul3A_162, %add3A_163 : i32
      %get3A = arith.index_cast %select_n3A : i32 to index
      %get3A_165 = arith.index_cast %add3A_164 : i32 to index
      %get3A_166 = tpu.vector_load %arg6[%get3A, %get3A_165] {strides = array<i32>} : memref<32x512xf32, #tpu.memory_space<vmem>>, vector<1x16xf32>,
      %get3A_167 = vector.shape_cast %get3A_166 : vector<1x16xf32> to vector<16xf32>
      %get3A_168 = arith.index_cast %select_n3A : i32 to index
      %get3A_169 = arith.index_cast %add3A_164 : i32 to index
      %get3A_170 = tpu.vector_load %arg7[%get3A_168, %get3A_169] {strides = array<i32>} : memref<32x512xi32, #tpu.memory_space<vmem>>, vector<1x16xi32>,
      %get3A_171 = vector.shape_cast %get3A_170 : vector<1x16xi32> to vector<16xi32>
      %convert_element_type3A = arith.sitofp %get3A_171 : vector<16xi32> to vector<16xf32>
      %get3A_172 = arith.index_cast %select_n3A : i32 to index
      %get3A_173 = arith.index_cast %add3A_164 : i32 to index
      %get3A_174 = tpu.vector_load %arg8[%get3A_172, %get3A_173] {strides = array<i32>} : memref<32x512xf32, #tpu.memory_space<vmem>>, vector<1x16xf32>,
      %get3A_175 = vector.shape_cast %get3A_174 : vector<1x16xf32> to vector<16xf32>
      %mul3A_176 = arith.mulf %get3A_167, %convert_element_type3A : vector<16xf32>
      %sub3A_177 = arith.subf %get3A_167, %mul3A_176 : vector<16xf32>
      %mul3A_178 = arith.constant -7.500000e+00 : f32
      %mul3A_179 = vector.broadcast %mul3A_178 : f32 to vector<16xf32>
      %mul3A_180 = arith.mulf %mul3A_179, %get3A_175 : vector<16xf32>
      %add3A_181 = arith.constant 0.949999988 : f32
      %add3A_182 = vector.broadcast %add3A_181 : f32 to vector<16xf32>
      %add3A_183 = arith.addf %mul3A_180, %add3A_182 : vector<16xf32>
      %max3A = arith.constant 2.000000e-01 : f32
      %max3A_184 = vector.broadcast %max3A : f32 to vector<16xf32>
      %max3A_185 = arith.maximumf %add3A_183, %max3A_184 : vector<16xf32>
      %gt3A = arith.constant 8.000000e-01 : f32
      %gt3A_186 = vector.broadcast %gt3A : f32 to vector<16xf32>
      %gt3A_187 = arith.cmpf ogt, %add3A_183, %gt3A_186 : vector<16xf32>
      %jit3A_188 = arith.constant 1.000000e+00 : f32
      %broadcast_in_dim3A_189 = vector.broadcast %jit3A_188 : f32 to vector<16xf32>
      %select_n3A_190 = arith.select %gt3A_187, %broadcast_in_dim3A_189, %max3A_185 : vector<16xi1>, vector<16xf32>
      %mul3A_191 = arith.mulf %mul3A_176, %get3A_167 : vector<16xf32>
      %mul3A_192 = arith.mulf %get3A_167, %get3A_167 : vector<16xf32>
      %mul3A_193 = arith.mulf %sub3A_177, %select_n3A_190 : vector<16xf32>
      %add3A_194 = arith.addf %scan3A_107, %convert_element_type3A : vector<16xf32>
      %add3A_195 = arith.addf %scan3A_108, %mul3A_176 : vector<16xf32>
      %add3A_196 = arith.addf %scan3A_109, %mul3A_191 : vector<16xf32>
      %add3A_197 = arith.addf %scan3A_110, %get3A_167 : vector<16xf32>
      %add3A_198 = arith.addf %scan3A_111, %mul3A_192 : vector<16xf32>
      %add3A_199 = arith.addf %scan3A_112, %mul3A_193 : vector<16xf32>
      %add3A_200 = arith.constant 16 : i32
      %add3A_201 = arith.addi %mul3A_162, %add3A_200 : i32
      %get3A_202 = arith.index_cast %select_n3A : i32 to index
      %get3A_203 = arith.index_cast %add3A_201 : i32 to index
      %get3A_204 = tpu.vector_load %arg6[%get3A_202, %get3A_203] {strides = array<i32>} : memref<32x512xf32, #tpu.memory_space<vmem>>, vector<1x16xf32>,
      %get3A_205 = vector.shape_cast %get3A_204 : vector<1x16xf32> to vector<16xf32>
      %get3A_206 = arith.index_cast %select_n3A : i32 to index
      %get3A_207 = arith.index_cast %add3A_201 : i32 to index
      %get3A_208 = tpu.vector_load %arg7[%get3A_206, %get3A_207] {strides = array<i32>} : memref<32x512xi32, #tpu.memory_space<vmem>>, vector<1x16xi32>,
      %get3A_209 = vector.shape_cast %get3A_208 : vector<1x16xi32> to vector<16xi32>
      %convert_element_type3A_210 = arith.sitofp %get3A_209 : vector<16xi32> to vector<16xf32>
      %get3A_211 = arith.index_cast %select_n3A : i32 to index
      %get3A_212 = arith.index_cast %add3A_201 : i32 to index
      %get3A_213 = tpu.vector_load %arg8[%get3A_211, %get3A_212] {strides = array<i32>} : memref<32x512xf32, #tpu.memory_space<vmem>>, vector<1x16xf32>,
      %get3A_214 = vector.shape_cast %get3A_213 : vector<1x16xf32> to vector<16xf32>
      %mul3A_215 = arith.mulf %get3A_205, %convert_element_type3A_210 : vector<16xf32>
      %sub3A_216 = arith.subf %get3A_205, %mul3A_215 : vector<16xf32>
      %mul3A_217 = arith.constant -7.500000e+00 : f32
      %mul3A_218 = vector.broadcast %mul3A_217 : f32 to vector<16xf32>
      %mul3A_219 = arith.mulf %mul3A_218, %get3A_214 : vector<16xf32>
      %add3A_220 = arith.constant 0.949999988 : f32
      %add3A_221 = vector.broadcast %add3A_220 : f32 to vector<16xf32>
      %add3A_222 = arith.addf %mul3A_219, %add3A_221 : vector<16xf32>
      %max3A_223 = arith.constant 2.000000e-01 : f32
      %max3A_224 = vector.broadcast %max3A_223 : f32 to vector<16xf32>
      %max3A_225 = arith.maximumf %add3A_222, %max3A_224 : vector<16xf32>
      %gt3A_226 = arith.constant 8.000000e-01 : f32
      %gt3A_227 = vector.broadcast %gt3A_226 : f32 to vector<16xf32>
      %gt3A_228 = arith.cmpf ogt, %add3A_222, %gt3A_227 : vector<16xf32>
      %jit3A_229 = arith.constant 1.000000e+00 : f32
      %broadcast_in_dim3A_230 = vector.broadcast %jit3A_229 : f32 to vector<16xf32>
      %select_n3A_231 = arith.select %gt3A_228, %broadcast_in_dim3A_230, %max3A_225 : vector<16xi1>, vector<16xf32>
      %mul3A_232 = arith.mulf %mul3A_215, %get3A_205 : vector<16xf32>
      %mul3A_233 = arith.mulf %get3A_205, %get3A_205 : vector<16xf32>
      %mul3A_234 = arith.mulf %sub3A_216, %select_n3A_231 : vector<16xf32>
      %add3A_235 = arith.addf %scan3A_113, %convert_element_type3A_210 : vector<16xf32>
      %add3A_236 = arith.addf %scan3A_114, %mul3A_215 : vector<16xf32>
      %add3A_237 = arith.addf %scan3A_115, %mul3A_232 : vector<16xf32>
      %add3A_238 = arith.addf %scan3A_116, %get3A_205 : vector<16xf32>
      %add3A_239 = arith.addf %scan3A_117, %mul3A_233 : vector<16xf32>
      %add3A_240 = arith.addf %scan3A_118, %mul3A_234 : vector<16xf32>
      %add3A_241 = arith.constant 32 : i32
      %add3A_242 = arith.addi %mul3A_162, %add3A_241 : i32
      %get3A_243 = arith.index_cast %select_n3A : i32 to index
      %get3A_244 = arith.index_cast %add3A_242 : i32 to index
      %get3A_245 = tpu.vector_load %arg6[%get3A_243, %get3A_244] {strides = array<i32>} : memref<32x512xf32, #tpu.memory_space<vmem>>, vector<1x16xf32>,
      %get3A_246 = vector.shape_cast %get3A_245 : vector<1x16xf32> to vector<16xf32>
      %get3A_247 = arith.index_cast %select_n3A : i32 to index
      %get3A_248 = arith.index_cast %add3A_242 : i32 to index
      %get3A_249 = tpu.vector_load %arg7[%get3A_247, %get3A_248] {strides = array<i32>} : memref<32x512xi32, #tpu.memory_space<vmem>>, vector<1x16xi32>,
      %get3A_250 = vector.shape_cast %get3A_249 : vector<1x16xi32> to vector<16xi32>
      %convert_element_type3A_251 = arith.sitofp %get3A_250 : vector<16xi32> to vector<16xf32>
      %get3A_252 = arith.index_cast %select_n3A : i32 to index
      %get3A_253 = arith.index_cast %add3A_242 : i32 to index
      %get3A_254 = tpu.vector_load %arg8[%get3A_252, %get3A_253] {strides = array<i32>} : memref<32x512xf32, #tpu.memory_space<vmem>>, vector<1x16xf32>,
      %get3A_255 = vector.shape_cast %get3A_254 : vector<1x16xf32> to vector<16xf32>
      %mul3A_256 = arith.mulf %get3A_246, %convert_element_type3A_251 : vector<16xf32>
      %sub3A_257 = arith.subf %get3A_246, %mul3A_256 : vector<16xf32>
      %mul3A_258 = arith.constant -7.500000e+00 : f32
      %mul3A_259 = vector.broadcast %mul3A_258 : f32 to vector<16xf32>
      %mul3A_260 = arith.mulf %mul3A_259, %get3A_255 : vector<16xf32>
      %add3A_261 = arith.constant 0.949999988 : f32
      %add3A_262 = vector.broadcast %add3A_261 : f32 to vector<16xf32>
      %add3A_263 = arith.addf %mul3A_260, %add3A_262 : vector<16xf32>
      %max3A_264 = arith.constant 2.000000e-01 : f32
      %max3A_265 = vector.broadcast %max3A_264 : f32 to vector<16xf32>
      %max3A_266 = arith.maximumf %add3A_263, %max3A_265 : vector<16xf32>
      %gt3A_267 = arith.constant 8.000000e-01 : f32
      %gt3A_268 = vector.broadcast %gt3A_267 : f32 to vector<16xf32>
      %gt3A_269 = arith.cmpf ogt, %add3A_263, %gt3A_268 : vector<16xf32>
      %jit3A_270 = arith.constant 1.000000e+00 : f32
      %broadcast_in_dim3A_271 = vector.broadcast %jit3A_270 : f32 to vector<16xf32>
      %select_n3A_272 = arith.select %gt3A_269, %broadcast_in_dim3A_271, %max3A_266 : vector<16xi1>, vector<16xf32>
      %mul3A_273 = arith.mulf %mul3A_256, %get3A_246 : vector<16xf32>
      %mul3A_274 = arith.mulf %get3A_246, %get3A_246 : vector<16xf32>
      %mul3A_275 = arith.mulf %sub3A_257, %select_n3A_272 : vector<16xf32>
      %add3A_276 = arith.addf %scan3A_119, %convert_element_type3A_251 : vector<16xf32>
      %add3A_277 = arith.addf %scan3A_120, %mul3A_256 : vector<16xf32>
      %add3A_278 = arith.addf %scan3A_121, %mul3A_273 : vector<16xf32>
      %add3A_279 = arith.addf %scan3A_122, %get3A_246 : vector<16xf32>
      %add3A_280 = arith.addf %scan3A_123, %mul3A_274 : vector<16xf32>
      %add3A_281 = arith.addf %scan3A_124, %mul3A_275 : vector<16xf32>
      %add3A_282 = arith.constant 48 : i32
      %add3A_283 = arith.addi %mul3A_162, %add3A_282 : i32
      %get3A_284 = arith.index_cast %select_n3A : i32 to index
      %get3A_285 = arith.index_cast %add3A_283 : i32 to index
      %get3A_286 = tpu.vector_load %arg6[%get3A_284, %get3A_285] {strides = array<i32>} : memref<32x512xf32, #tpu.memory_space<vmem>>, vector<1x16xf32>,
      %get3A_287 = vector.shape_cast %get3A_286 : vector<1x16xf32> to vector<16xf32>
      %get3A_288 = arith.index_cast %select_n3A : i32 to index
      %get3A_289 = arith.index_cast %add3A_283 : i32 to index
      %get3A_290 = tpu.vector_load %arg7[%get3A_288, %get3A_289] {strides = array<i32>} : memref<32x512xi32, #tpu.memory_space<vmem>>, vector<1x16xi32>,
      %get3A_291 = vector.shape_cast %get3A_290 : vector<1x16xi32> to vector<16xi32>
      %convert_element_type3A_292 = arith.sitofp %get3A_291 : vector<16xi32> to vector<16xf32>
      %get3A_293 = arith.index_cast %select_n3A : i32 to index
      %get3A_294 = arith.index_cast %add3A_283 : i32 to index
      %get3A_295 = tpu.vector_load %arg8[%get3A_293, %get3A_294] {strides = array<i32>} : memref<32x512xf32, #tpu.memory_space<vmem>>, vector<1x16xf32>,
      %get3A_296 = vector.shape_cast %get3A_295 : vector<1x16xf32> to vector<16xf32>
      %mul3A_297 = arith.mulf %get3A_287, %convert_element_type3A_292 : vector<16xf32>
      %sub3A_298 = arith.subf %get3A_287, %mul3A_297 : vector<16xf32>
      %mul3A_299 = arith.constant -7.500000e+00 : f32
      %mul3A_300 = vector.broadcast %mul3A_299 : f32 to vector<16xf32>
      %mul3A_301 = arith.mulf %mul3A_300, %get3A_296 : vector<16xf32>
      %add3A_302 = arith.constant 0.949999988 : f32
      %add3A_303 = vector.broadcast %add3A_302 : f32 to vector<16xf32>
      %add3A_304 = arith.addf %mul3A_301, %add3A_303 : vector<16xf32>
      %max3A_305 = arith.constant 2.000000e-01 : f32
      %max3A_306 = vector.broadcast %max3A_305 : f32 to vector<16xf32>
      %max3A_307 = arith.maximumf %add3A_304, %max3A_306 : vector<16xf32>
      %gt3A_308 = arith.constant 8.000000e-01 : f32
      %gt3A_309 = vector.broadcast %gt3A_308 : f32 to vector<16xf32>
      %gt3A_310 = arith.cmpf ogt, %add3A_304, %gt3A_309 : vector<16xf32>
      %jit3A_311 = arith.constant 1.000000e+00 : f32
      %broadcast_in_dim3A_312 = vector.broadcast %jit3A_311 : f32 to vector<16xf32>
      %select_n3A_313 = arith.select %gt3A_310, %broadcast_in_dim3A_312, %max3A_307 : vector<16xi1>, vector<16xf32>
      %mul3A_314 = arith.mulf %mul3A_297, %get3A_287 : vector<16xf32>
      %mul3A_315 = arith.mulf %get3A_287, %get3A_287 : vector<16xf32>
      %mul3A_316 = arith.mulf %sub3A_298, %select_n3A_313 : vector<16xf32>
      %add3A_317 = arith.addf %scan3A_125, %convert_element_type3A_292 : vector<16xf32>
      %add3A_318 = arith.addf %scan3A_126, %mul3A_297 : vector<16xf32>
      %add3A_319 = arith.addf %scan3A_127, %mul3A_314 : vector<16xf32>
      %add3A_320 = arith.addf %scan3A_128, %get3A_287 : vector<16xf32>
      %add3A_321 = arith.addf %scan3A_129, %mul3A_315 : vector<16xf32>
      %add3A_322 = arith.addf %scan3A_130, %mul3A_316 : vector<16xf32>
      scf.yield %add3A_194, %add3A_195, %add3A_196, %add3A_197, %add3A_198, %add3A_199, %add3A_235, %add3A_236, %add3A_237, %add3A_238, %add3A_239, %add3A_240, %add3A_276, %add3A_277, %add3A_278, %add3A_279, %add3A_280, %add3A_281, %add3A_317, %add3A_318, %add3A_319, %add3A_320, %add3A_321, %add3A_322 : vector<16xf32>, vector<16xf32>, vector<16xf32>, vector<16xf32>, vector<16xf32>, vector<16xf32>, vector<16xf32>, vector<16xf32>, vector<16xf32>, vector<16xf32>, vector<16xf32>, vector<16xf32>, vector<16xf32>, vector<16xf32>, vector<16xf32>, vector<16xf32>, vector<16xf32>, vector<16xf32>, vector<16xf32>, vector<16xf32>, vector<16xf32>, vector<16xf32>, vector<16xf32>, vector<16xf32>
    }
    %scan3A_46 = arith.constant 256 : i32
    %dma_wait3A_47 = arith.constant 0 : i32
    %dma_wait3A_48 = tpu.memref_slice %arg2[%add3A_29, %dma_wait3A_47] : memref<8192x512xf32, #tpu.memory_space<hbm>> -> memref<32x512xf32, #tpu.memory_space<hbm>>
    %dma_wait3A_49 = arith.constant 0 : i32
    %dma_wait3A_50 = tpu.memref_slice %arg2[%add3A_29, %dma_wait3A_49] : memref<8192x512xf32, #tpu.memory_space<hbm>> -> memref<32x512xf32, #tpu.memory_space<hbm>>
    tpu.wait_dma2 semaphore(%arg14 : memref<!tpu.dma_semaphore, #tpu.memory_space<semaphore_mem>>) src(%dma_wait3A_50 : memref<32x512xf32, #tpu.memory_space<hbm>>) dst(%arg9 : memref<32x512xf32, #tpu.memory_space<vmem>>)
    %dma_wait3A_51 = arith.constant 0 : i32
    %dma_wait3A_52 = tpu.memref_slice %arg3[%add3A_29, %dma_wait3A_51] : memref<8192x512xi32, #tpu.memory_space<hbm>> -> memref<32x512xi32, #tpu.memory_space<hbm>>
    %dma_wait3A_53 = arith.constant 0 : i32
    %dma_wait3A_54 = tpu.memref_slice %arg3[%add3A_29, %dma_wait3A_53] : memref<8192x512xi32, #tpu.memory_space<hbm>> -> memref<32x512xi32, #tpu.memory_space<hbm>>
    tpu.wait_dma2 semaphore(%arg14 : memref<!tpu.dma_semaphore, #tpu.memory_space<semaphore_mem>>) src(%dma_wait3A_54 : memref<32x512xi32, #tpu.memory_space<hbm>>) dst(%arg10 : memref<32x512xi32, #tpu.memory_space<vmem>>)
    %dma_wait3A_55 = arith.constant 0 : i32
    %dma_wait3A_56 = tpu.memref_slice %arg4[%add3A_29, %dma_wait3A_55] : memref<8192x512xf32, #tpu.memory_space<hbm>> -> memref<32x512xf32, #tpu.memory_space<hbm>>
    %dma_wait3A_57 = arith.constant 0 : i32
    %dma_wait3A_58 = tpu.memref_slice %arg4[%add3A_29, %dma_wait3A_57] : memref<8192x512xf32, #tpu.memory_space<hbm>> -> memref<32x512xf32, #tpu.memory_space<hbm>>
    tpu.wait_dma2 semaphore(%arg14 : memref<!tpu.dma_semaphore, #tpu.memory_space<semaphore_mem>>) src(%dma_wait3A_58 : memref<32x512xf32, #tpu.memory_space<hbm>>) dst(%arg11 : memref<32x512xf32, #tpu.memory_space<vmem>>)
    %scan3A_59 = arith.constant 0 : i32
    %scan3A_60 = arith.constant 256 : i32
    %scan3A_61 = arith.addi %scan3A_59, %scan3A_60 : i32
    %scan3A_62 = arith.constant 1 : i32
    %scan3A_63:24 = scf.for %scan3A_106 = %scan3A_59 to %scan3A_61 step %scan3A_62 iter_args(%scan3A_107 = %scan3A_45#0, %scan3A_108 = %scan3A_45#1, %scan3A_109 = %scan3A_45#2, %scan3A_110 = %scan3A_45#3, %scan3A_111 = %scan3A_45#4, %scan3A_112 = %scan3A_45#5, %scan3A_113 = %scan3A_45#6, %scan3A_114 = %scan3A_45#7, %scan3A_115 = %scan3A_45#8, %scan3A_116 = %scan3A_45#9, %scan3A_117 = %scan3A_45#10, %scan3A_118 = %scan3A_45#11, %scan3A_119 = %scan3A_45#12, %scan3A_120 = %scan3A_45#13, %scan3A_121 = %scan3A_45#14, %scan3A_122 = %scan3A_45#15, %scan3A_123 = %scan3A_45#16, %scan3A_124 = %scan3A_45#17, %scan3A_125 = %scan3A_45#18, %scan3A_126 = %scan3A_45#19, %scan3A_127 = %scan3A_45#20, %scan3A_128 = %scan3A_45#21, %scan3A_129 = %scan3A_45#22, %scan3A_130 = %scan3A_45#23) -> (vector<16xf32>, vector<16xf32>, vector<16xf32>, vector<16xf32>, vector<16xf32>, vector<16xf32>, vector<16xf32>, vector<16xf32>, vector<16xf32>, vector<16xf32>, vector<16xf32>, vector<16xf32>, vector<16xf32>, vector<16xf32>, vector<16xf32>, vector<16xf32>, vector<16xf32>, vector<16xf32>, vector<16xf32>, vector<16xf32>, vector<16xf32>, vector<16xf32>, vector<16xf32>, vector<16xf32>)  : i32 {
      %jit3A = arith.constant 8 : i32
      %div3A = arith.divsi %scan3A_106, %jit3A : i32
      %sign3A = arith.constant 0 : i32
      %sign3A_131 = arith.cmpi sgt, %scan3A_106, %sign3A : i32
      %sign3A_132 = arith.extui %sign3A_131 : i1 to i32
      %sign3A_133 = arith.constant 0 : i32
      %sign3A_134 = arith.cmpi slt, %scan3A_106, %sign3A_133 : i32
      %sign3A_135 = arith.extui %sign3A_134 : i1 to i32
      %sign3A_136 = arith.subi %sign3A_132, %sign3A_135 : i32
      %sign3A_137 = arith.constant 0 : i32
      %sign3A_138 = arith.cmpi sgt, %jit3A, %sign3A_137 : i32
      %sign3A_139 = arith.extui %sign3A_138 : i1 to i32
      %sign3A_140 = arith.constant 0 : i32
      %sign3A_141 = arith.cmpi slt, %jit3A, %sign3A_140 : i32
      %sign3A_142 = arith.extui %sign3A_141 : i1 to i32
      %sign3A_143 = arith.subi %sign3A_139, %sign3A_142 : i32
      %ne3A = arith.cmpi ne, %sign3A_136, %sign3A_143 : i32
      %rem3A = arith.remsi %scan3A_106, %jit3A : i32
      %ne3A_144 = arith.constant 0 : i32
      %ne3A_145 = arith.cmpi ne, %rem3A, %ne3A_144 : i32
      %and3A = arith.andi %ne3A, %ne3A_145 : i1
      %sub3A = arith.constant 1 : i32
      %sub3A_146 = arith.subi %div3A, %sub3A : i32
      %select_n3A = arith.select %and3A, %sub3A_146, %div3A : i32
      %jit3A_147 = arith.constant 8 : i32
      %eq3A = arith.constant 0 : i32
      %eq3A_148 = arith.cmpi eq, %jit3A_147, %eq3A : i32
      %jit3A_149 = arith.constant 1 : i32
      %select_n3A_150 = arith.select %eq3A_148, %jit3A_149, %jit3A_147 : i32
      %rem3A_151 = arith.remsi %scan3A_106, %select_n3A_150 : i32
      %ne3A_152 = arith.constant 0 : i32
      %ne3A_153 = arith.cmpi ne, %rem3A_151, %ne3A_152 : i32
      %lt3A = arith.constant 0 : i32
      %lt3A_154 = arith.cmpi slt, %rem3A_151, %lt3A : i32
      %lt3A_155 = arith.constant 0 : i32
      %lt3A_156 = arith.cmpi slt, %select_n3A_150, %lt3A_155 : i32
      %ne3A_157 = arith.xori %lt3A_154, %lt3A_156 : i1
      %and3A_158 = arith.andi %ne3A_157, %ne3A_153 : i1
      %add3A_159 = arith.addi %rem3A_151, %select_n3A_150 : i32
      %select_n3A_160 = arith.select %and3A_158, %add3A_159, %rem3A_151 : i32
      %mul3A_161 = arith.constant 64 : i32
      %mul3A_162 = arith.muli %select_n3A_160, %mul3A_161 : i32
      %add3A_163 = arith.constant 0 : i32
      %add3A_164 = arith.addi %mul3A_162, %add3A_163 : i32
      %get3A = arith.index_cast %select_n3A : i32 to index
      %get3A_165 = arith.index_cast %add3A_164 : i32 to index
      %get3A_166 = tpu.vector_load %arg9[%get3A, %get3A_165] {strides = array<i32>} : memref<32x512xf32, #tpu.memory_space<vmem>>, vector<1x16xf32>,
      %get3A_167 = vector.shape_cast %get3A_166 : vector<1x16xf32> to vector<16xf32>
      %get3A_168 = arith.index_cast %select_n3A : i32 to index
      %get3A_169 = arith.index_cast %add3A_164 : i32 to index
      %get3A_170 = tpu.vector_load %arg10[%get3A_168, %get3A_169] {strides = array<i32>} : memref<32x512xi32, #tpu.memory_space<vmem>>, vector<1x16xi32>,
      %get3A_171 = vector.shape_cast %get3A_170 : vector<1x16xi32> to vector<16xi32>
      %convert_element_type3A = arith.sitofp %get3A_171 : vector<16xi32> to vector<16xf32>
      %get3A_172 = arith.index_cast %select_n3A : i32 to index
      %get3A_173 = arith.index_cast %add3A_164 : i32 to index
      %get3A_174 = tpu.vector_load %arg11[%get3A_172, %get3A_173] {strides = array<i32>} : memref<32x512xf32, #tpu.memory_space<vmem>>, vector<1x16xf32>,
      %get3A_175 = vector.shape_cast %get3A_174 : vector<1x16xf32> to vector<16xf32>
      %mul3A_176 = arith.mulf %get3A_167, %convert_element_type3A : vector<16xf32>
      %sub3A_177 = arith.subf %get3A_167, %mul3A_176 : vector<16xf32>
      %mul3A_178 = arith.constant -7.500000e+00 : f32
      %mul3A_179 = vector.broadcast %mul3A_178 : f32 to vector<16xf32>
      %mul3A_180 = arith.mulf %mul3A_179, %get3A_175 : vector<16xf32>
      %add3A_181 = arith.constant 0.949999988 : f32
      %add3A_182 = vector.broadcast %add3A_181 : f32 to vector<16xf32>
      %add3A_183 = arith.addf %mul3A_180, %add3A_182 : vector<16xf32>
      %max3A = arith.constant 2.000000e-01 : f32
      %max3A_184 = vector.broadcast %max3A : f32 to vector<16xf32>
      %max3A_185 = arith.maximumf %add3A_183, %max3A_184 : vector<16xf32>
      %gt3A = arith.constant 8.000000e-01 : f32
      %gt3A_186 = vector.broadcast %gt3A : f32 to vector<16xf32>
      %gt3A_187 = arith.cmpf ogt, %add3A_183, %gt3A_186 : vector<16xf32>
      %jit3A_188 = arith.constant 1.000000e+00 : f32
      %broadcast_in_dim3A_189 = vector.broadcast %jit3A_188 : f32 to vector<16xf32>
      %select_n3A_190 = arith.select %gt3A_187, %broadcast_in_dim3A_189, %max3A_185 : vector<16xi1>, vector<16xf32>
      %mul3A_191 = arith.mulf %mul3A_176, %get3A_167 : vector<16xf32>
      %mul3A_192 = arith.mulf %get3A_167, %get3A_167 : vector<16xf32>
      %mul3A_193 = arith.mulf %sub3A_177, %select_n3A_190 : vector<16xf32>
      %add3A_194 = arith.addf %scan3A_107, %convert_element_type3A : vector<16xf32>
      %add3A_195 = arith.addf %scan3A_108, %mul3A_176 : vector<16xf32>
      %add3A_196 = arith.addf %scan3A_109, %mul3A_191 : vector<16xf32>
      %add3A_197 = arith.addf %scan3A_110, %get3A_167 : vector<16xf32>
      %add3A_198 = arith.addf %scan3A_111, %mul3A_192 : vector<16xf32>
      %add3A_199 = arith.addf %scan3A_112, %mul3A_193 : vector<16xf32>
      %add3A_200 = arith.constant 16 : i32
      %add3A_201 = arith.addi %mul3A_162, %add3A_200 : i32
      %get3A_202 = arith.index_cast %select_n3A : i32 to index
      %get3A_203 = arith.index_cast %add3A_201 : i32 to index
      %get3A_204 = tpu.vector_load %arg9[%get3A_202, %get3A_203] {strides = array<i32>} : memref<32x512xf32, #tpu.memory_space<vmem>>, vector<1x16xf32>,
      %get3A_205 = vector.shape_cast %get3A_204 : vector<1x16xf32> to vector<16xf32>
      %get3A_206 = arith.index_cast %select_n3A : i32 to index
      %get3A_207 = arith.index_cast %add3A_201 : i32 to index
      %get3A_208 = tpu.vector_load %arg10[%get3A_206, %get3A_207] {strides = array<i32>} : memref<32x512xi32, #tpu.memory_space<vmem>>, vector<1x16xi32>,
      %get3A_209 = vector.shape_cast %get3A_208 : vector<1x16xi32> to vector<16xi32>
      %convert_element_type3A_210 = arith.sitofp %get3A_209 : vector<16xi32> to vector<16xf32>
      %get3A_211 = arith.index_cast %select_n3A : i32 to index
      %get3A_212 = arith.index_cast %add3A_201 : i32 to index
      %get3A_213 = tpu.vector_load %arg11[%get3A_211, %get3A_212] {strides = array<i32>} : memref<32x512xf32, #tpu.memory_space<vmem>>, vector<1x16xf32>,
      %get3A_214 = vector.shape_cast %get3A_213 : vector<1x16xf32> to vector<16xf32>
      %mul3A_215 = arith.mulf %get3A_205, %convert_element_type3A_210 : vector<16xf32>
      %sub3A_216 = arith.subf %get3A_205, %mul3A_215 : vector<16xf32>
      %mul3A_217 = arith.constant -7.500000e+00 : f32
      %mul3A_218 = vector.broadcast %mul3A_217 : f32 to vector<16xf32>
      %mul3A_219 = arith.mulf %mul3A_218, %get3A_214 : vector<16xf32>
      %add3A_220 = arith.constant 0.949999988 : f32
      %add3A_221 = vector.broadcast %add3A_220 : f32 to vector<16xf32>
      %add3A_222 = arith.addf %mul3A_219, %add3A_221 : vector<16xf32>
      %max3A_223 = arith.constant 2.000000e-01 : f32
      %max3A_224 = vector.broadcast %max3A_223 : f32 to vector<16xf32>
      %max3A_225 = arith.maximumf %add3A_222, %max3A_224 : vector<16xf32>
      %gt3A_226 = arith.constant 8.000000e-01 : f32
      %gt3A_227 = vector.broadcast %gt3A_226 : f32 to vector<16xf32>
      %gt3A_228 = arith.cmpf ogt, %add3A_222, %gt3A_227 : vector<16xf32>
      %jit3A_229 = arith.constant 1.000000e+00 : f32
      %broadcast_in_dim3A_230 = vector.broadcast %jit3A_229 : f32 to vector<16xf32>
      %select_n3A_231 = arith.select %gt3A_228, %broadcast_in_dim3A_230, %max3A_225 : vector<16xi1>, vector<16xf32>
      %mul3A_232 = arith.mulf %mul3A_215, %get3A_205 : vector<16xf32>
      %mul3A_233 = arith.mulf %get3A_205, %get3A_205 : vector<16xf32>
      %mul3A_234 = arith.mulf %sub3A_216, %select_n3A_231 : vector<16xf32>
      %add3A_235 = arith.addf %scan3A_113, %convert_element_type3A_210 : vector<16xf32>
      %add3A_236 = arith.addf %scan3A_114, %mul3A_215 : vector<16xf32>
      %add3A_237 = arith.addf %scan3A_115, %mul3A_232 : vector<16xf32>
      %add3A_238 = arith.addf %scan3A_116, %get3A_205 : vector<16xf32>
      %add3A_239 = arith.addf %scan3A_117, %mul3A_233 : vector<16xf32>
      %add3A_240 = arith.addf %scan3A_118, %mul3A_234 : vector<16xf32>
      %add3A_241 = arith.constant 32 : i32
      %add3A_242 = arith.addi %mul3A_162, %add3A_241 : i32
      %get3A_243 = arith.index_cast %select_n3A : i32 to index
      %get3A_244 = arith.index_cast %add3A_242 : i32 to index
      %get3A_245 = tpu.vector_load %arg9[%get3A_243, %get3A_244] {strides = array<i32>} : memref<32x512xf32, #tpu.memory_space<vmem>>, vector<1x16xf32>,
      %get3A_246 = vector.shape_cast %get3A_245 : vector<1x16xf32> to vector<16xf32>
      %get3A_247 = arith.index_cast %select_n3A : i32 to index
      %get3A_248 = arith.index_cast %add3A_242 : i32 to index
      %get3A_249 = tpu.vector_load %arg10[%get3A_247, %get3A_248] {strides = array<i32>} : memref<32x512xi32, #tpu.memory_space<vmem>>, vector<1x16xi32>,
      %get3A_250 = vector.shape_cast %get3A_249 : vector<1x16xi32> to vector<16xi32>
      %convert_element_type3A_251 = arith.sitofp %get3A_250 : vector<16xi32> to vector<16xf32>
      %get3A_252 = arith.index_cast %select_n3A : i32 to index
      %get3A_253 = arith.index_cast %add3A_242 : i32 to index
      %get3A_254 = tpu.vector_load %arg11[%get3A_252, %get3A_253] {strides = array<i32>} : memref<32x512xf32, #tpu.memory_space<vmem>>, vector<1x16xf32>,
      %get3A_255 = vector.shape_cast %get3A_254 : vector<1x16xf32> to vector<16xf32>
      %mul3A_256 = arith.mulf %get3A_246, %convert_element_type3A_251 : vector<16xf32>
      %sub3A_257 = arith.subf %get3A_246, %mul3A_256 : vector<16xf32>
      %mul3A_258 = arith.constant -7.500000e+00 : f32
      %mul3A_259 = vector.broadcast %mul3A_258 : f32 to vector<16xf32>
      %mul3A_260 = arith.mulf %mul3A_259, %get3A_255 : vector<16xf32>
      %add3A_261 = arith.constant 0.949999988 : f32
      %add3A_262 = vector.broadcast %add3A_261 : f32 to vector<16xf32>
      %add3A_263 = arith.addf %mul3A_260, %add3A_262 : vector<16xf32>
      %max3A_264 = arith.constant 2.000000e-01 : f32
      %max3A_265 = vector.broadcast %max3A_264 : f32 to vector<16xf32>
      %max3A_266 = arith.maximumf %add3A_263, %max3A_265 : vector<16xf32>
      %gt3A_267 = arith.constant 8.000000e-01 : f32
      %gt3A_268 = vector.broadcast %gt3A_267 : f32 to vector<16xf32>
      %gt3A_269 = arith.cmpf ogt, %add3A_263, %gt3A_268 : vector<16xf32>
      %jit3A_270 = arith.constant 1.000000e+00 : f32
      %broadcast_in_dim3A_271 = vector.broadcast %jit3A_270 : f32 to vector<16xf32>
      %select_n3A_272 = arith.select %gt3A_269, %broadcast_in_dim3A_271, %max3A_266 : vector<16xi1>, vector<16xf32>
      %mul3A_273 = arith.mulf %mul3A_256, %get3A_246 : vector<16xf32>
      %mul3A_274 = arith.mulf %get3A_246, %get3A_246 : vector<16xf32>
      %mul3A_275 = arith.mulf %sub3A_257, %select_n3A_272 : vector<16xf32>
      %add3A_276 = arith.addf %scan3A_119, %convert_element_type3A_251 : vector<16xf32>
      %add3A_277 = arith.addf %scan3A_120, %mul3A_256 : vector<16xf32>
      %add3A_278 = arith.addf %scan3A_121, %mul3A_273 : vector<16xf32>
      %add3A_279 = arith.addf %scan3A_122, %get3A_246 : vector<16xf32>
      %add3A_280 = arith.addf %scan3A_123, %mul3A_274 : vector<16xf32>
      %add3A_281 = arith.addf %scan3A_124, %mul3A_275 : vector<16xf32>
      %add3A_282 = arith.constant 48 : i32
      %add3A_283 = arith.addi %mul3A_162, %add3A_282 : i32
      %get3A_284 = arith.index_cast %select_n3A : i32 to index
      %get3A_285 = arith.index_cast %add3A_283 : i32 to index
      %get3A_286 = tpu.vector_load %arg9[%get3A_284, %get3A_285] {strides = array<i32>} : memref<32x512xf32, #tpu.memory_space<vmem>>, vector<1x16xf32>,
      %get3A_287 = vector.shape_cast %get3A_286 : vector<1x16xf32> to vector<16xf32>
      %get3A_288 = arith.index_cast %select_n3A : i32 to index
      %get3A_289 = arith.index_cast %add3A_283 : i32 to index
      %get3A_290 = tpu.vector_load %arg10[%get3A_288, %get3A_289] {strides = array<i32>} : memref<32x512xi32, #tpu.memory_space<vmem>>, vector<1x16xi32>,
      %get3A_291 = vector.shape_cast %get3A_290 : vector<1x16xi32> to vector<16xi32>
      %convert_element_type3A_292 = arith.sitofp %get3A_291 : vector<16xi32> to vector<16xf32>
      %get3A_293 = arith.index_cast %select_n3A : i32 to index
      %get3A_294 = arith.index_cast %add3A_283 : i32 to index
      %get3A_295 = tpu.vector_load %arg11[%get3A_293, %get3A_294] {strides = array<i32>} : memref<32x512xf32, #tpu.memory_space<vmem>>, vector<1x16xf32>,
      %get3A_296 = vector.shape_cast %get3A_295 : vector<1x16xf32> to vector<16xf32>
      %mul3A_297 = arith.mulf %get3A_287, %convert_element_type3A_292 : vector<16xf32>
      %sub3A_298 = arith.subf %get3A_287, %mul3A_297 : vector<16xf32>
      %mul3A_299 = arith.constant -7.500000e+00 : f32
      %mul3A_300 = vector.broadcast %mul3A_299 : f32 to vector<16xf32>
      %mul3A_301 = arith.mulf %mul3A_300, %get3A_296 : vector<16xf32>
      %add3A_302 = arith.constant 0.949999988 : f32
      %add3A_303 = vector.broadcast %add3A_302 : f32 to vector<16xf32>
      %add3A_304 = arith.addf %mul3A_301, %add3A_303 : vector<16xf32>
      %max3A_305 = arith.constant 2.000000e-01 : f32
      %max3A_306 = vector.broadcast %max3A_305 : f32 to vector<16xf32>
      %max3A_307 = arith.maximumf %add3A_304, %max3A_306 : vector<16xf32>
      %gt3A_308 = arith.constant 8.000000e-01 : f32
      %gt3A_309 = vector.broadcast %gt3A_308 : f32 to vector<16xf32>
      %gt3A_310 = arith.cmpf ogt, %add3A_304, %gt3A_309 : vector<16xf32>
      %jit3A_311 = arith.constant 1.000000e+00 : f32
      %broadcast_in_dim3A_312 = vector.broadcast %jit3A_311 : f32 to vector<16xf32>
      %select_n3A_313 = arith.select %gt3A_310, %broadcast_in_dim3A_312, %max3A_307 : vector<16xi1>, vector<16xf32>
      %mul3A_314 = arith.mulf %mul3A_297, %get3A_287 : vector<16xf32>
      %mul3A_315 = arith.mulf %get3A_287, %get3A_287 : vector<16xf32>
      %mul3A_316 = arith.mulf %sub3A_298, %select_n3A_313 : vector<16xf32>
      %add3A_317 = arith.addf %scan3A_125, %convert_element_type3A_292 : vector<16xf32>
      %add3A_318 = arith.addf %scan3A_126, %mul3A_297 : vector<16xf32>
      %add3A_319 = arith.addf %scan3A_127, %mul3A_314 : vector<16xf32>
      %add3A_320 = arith.addf %scan3A_128, %get3A_287 : vector<16xf32>
      %add3A_321 = arith.addf %scan3A_129, %mul3A_315 : vector<16xf32>
      %add3A_322 = arith.addf %scan3A_130, %mul3A_316 : vector<16xf32>
      scf.yield %add3A_194, %add3A_195, %add3A_196, %add3A_197, %add3A_198, %add3A_199, %add3A_235, %add3A_236, %add3A_237, %add3A_238, %add3A_239, %add3A_240, %add3A_276, %add3A_277, %add3A_278, %add3A_279, %add3A_280, %add3A_281, %add3A_317, %add3A_318, %add3A_319, %add3A_320, %add3A_321, %add3A_322 : vector<16xf32>, vector<16xf32>, vector<16xf32>, vector<16xf32>, vector<16xf32>, vector<16xf32>, vector<16xf32>, vector<16xf32>, vector<16xf32>, vector<16xf32>, vector<16xf32>, vector<16xf32>, vector<16xf32>, vector<16xf32>, vector<16xf32>, vector<16xf32>, vector<16xf32>, vector<16xf32>, vector<16xf32>, vector<16xf32>, vector<16xf32>, vector<16xf32>, vector<16xf32>, vector<16xf32>
    }
    %scan3A_64 = arith.constant 256 : i32
    %add3A_65 = arith.addf %scan3A_63#0, %scan3A_63#6 : vector<16xf32>
    %add3A_66 = arith.addf %add3A_65, %scan3A_63#12 : vector<16xf32>
    %add3A_67 = arith.addf %add3A_66, %scan3A_63#18 : vector<16xf32>
    %swap3A = arith.constant 0 : index
    %swap3A_68 = tpu.vector_load %arg12[%swap3A] {strides = array<i32>} : memref<96xf32, #tpu.memory_space<vmem>>, vector<16xf32>,
    %swap3A_69 = vector.shape_cast %swap3A_68 : vector<16xf32> to vector<16xf32>
    %swap3A_70 = vector.shape_cast %add3A_67 : vector<16xf32> to vector<16xf32>
    tpu.vector_store %arg12[%swap3A], %swap3A_70 {strides = array<i32>} : memref<96xf32, #tpu.memory_space<vmem>>, vector<16xf32>,
    %add3A_71 = arith.addf %scan3A_63#1, %scan3A_63#7 : vector<16xf32>
    %add3A_72 = arith.addf %add3A_71, %scan3A_63#13 : vector<16xf32>
    %add3A_73 = arith.addf %add3A_72, %scan3A_63#19 : vector<16xf32>
    %swap3A_74 = arith.constant 16 : index
    %swap3A_75 = tpu.vector_load %arg12[%swap3A_74] {strides = array<i32>} : memref<96xf32, #tpu.memory_space<vmem>>, vector<16xf32>,
    %swap3A_76 = vector.shape_cast %swap3A_75 : vector<16xf32> to vector<16xf32>
    %swap3A_77 = vector.shape_cast %add3A_73 : vector<16xf32> to vector<16xf32>
    tpu.vector_store %arg12[%swap3A_74], %swap3A_77 {strides = array<i32>} : memref<96xf32, #tpu.memory_space<vmem>>, vector<16xf32>,
    %add3A_78 = arith.addf %scan3A_63#2, %scan3A_63#8 : vector<16xf32>
    %add3A_79 = arith.addf %add3A_78, %scan3A_63#14 : vector<16xf32>
    %add3A_80 = arith.addf %add3A_79, %scan3A_63#20 : vector<16xf32>
    %swap3A_81 = arith.constant 32 : index
    %swap3A_82 = tpu.vector_load %arg12[%swap3A_81] {strides = array<i32>} : memref<96xf32, #tpu.memory_space<vmem>>, vector<16xf32>,
    %swap3A_83 = vector.shape_cast %swap3A_82 : vector<16xf32> to vector<16xf32>
    %swap3A_84 = vector.shape_cast %add3A_80 : vector<16xf32> to vector<16xf32>
    tpu.vector_store %arg12[%swap3A_81], %swap3A_84 {strides = array<i32>} : memref<96xf32, #tpu.memory_space<vmem>>, vector<16xf32>,
    %add3A_85 = arith.addf %scan3A_63#3, %scan3A_63#9 : vector<16xf32>
    %add3A_86 = arith.addf %add3A_85, %scan3A_63#15 : vector<16xf32>
    %add3A_87 = arith.addf %add3A_86, %scan3A_63#21 : vector<16xf32>
    %swap3A_88 = arith.constant 48 : index
    %swap3A_89 = tpu.vector_load %arg12[%swap3A_88] {strides = array<i32>} : memref<96xf32, #tpu.memory_space<vmem>>, vector<16xf32>,
    %swap3A_90 = vector.shape_cast %swap3A_89 : vector<16xf32> to vector<16xf32>
    %swap3A_91 = vector.shape_cast %add3A_87 : vector<16xf32> to vector<16xf32>
    tpu.vector_store %arg12[%swap3A_88], %swap3A_91 {strides = array<i32>} : memref<96xf32, #tpu.memory_space<vmem>>, vector<16xf32>,
    %add3A_92 = arith.addf %scan3A_63#4, %scan3A_63#10 : vector<16xf32>
    %add3A_93 = arith.addf %add3A_92, %scan3A_63#16 : vector<16xf32>
    %add3A_94 = arith.addf %add3A_93, %scan3A_63#22 : vector<16xf32>
    %swap3A_95 = arith.constant 64 : index
    %swap3A_96 = tpu.vector_load %arg12[%swap3A_95] {strides = array<i32>} : memref<96xf32, #tpu.memory_space<vmem>>, vector<16xf32>,
    %swap3A_97 = vector.shape_cast %swap3A_96 : vector<16xf32> to vector<16xf32>
    %swap3A_98 = vector.shape_cast %add3A_94 : vector<16xf32> to vector<16xf32>
    tpu.vector_store %arg12[%swap3A_95], %swap3A_98 {strides = array<i32>} : memref<96xf32, #tpu.memory_space<vmem>>, vector<16xf32>,
    %add3A_99 = arith.addf %scan3A_63#5, %scan3A_63#11 : vector<16xf32>
    %add3A_100 = arith.addf %add3A_99, %scan3A_63#17 : vector<16xf32>
    %add3A_101 = arith.addf %add3A_100, %scan3A_63#23 : vector<16xf32>
    %swap3A_102 = arith.constant 80 : index
    %swap3A_103 = tpu.vector_load %arg12[%swap3A_102] {strides = array<i32>} : memref<96xf32, #tpu.memory_space<vmem>>, vector<16xf32>,
    %swap3A_104 = vector.shape_cast %swap3A_103 : vector<16xf32> to vector<16xf32>
    %swap3A_105 = vector.shape_cast %add3A_101 : vector<16xf32> to vector<16xf32>
    tpu.vector_store %arg12[%swap3A_102], %swap3A_105 {strides = array<i32>} : memref<96xf32, #tpu.memory_space<vmem>>, vector<16xf32>,
    "tpu.region"() ({
      %run_scoped3A = tpu.sem_alloc : memref<!tpu.dma_semaphore, #tpu.memory_space<semaphore_mem>>
      %dma_start3A_106 = arith.constant 0 : i32
      %dma_start3A_107 = tpu.memref_slice %arg5[%add3A, %dma_start3A_106] : memref<32x96xf32, #tpu.memory_space<hbm>> -> memref<1x96xf32, #tpu.memory_space<hbm>>
      %dma_start3A_108 = tpu.memref_squeeze %dma_start3A_107 : memref<1x96xf32, #tpu.memory_space<hbm>> -> memref<96xf32, #tpu.memory_space<hbm>>
      %dma_start3A_109 = arith.constant 0 : i32
      %dma_start3A_110 = tpu.memref_slice %arg5[%add3A, %dma_start3A_109] : memref<32x96xf32, #tpu.memory_space<hbm>> -> memref<1x96xf32, #tpu.memory_space<hbm>>
      %dma_start3A_111 = tpu.memref_squeeze %dma_start3A_110 : memref<1x96xf32, #tpu.memory_space<hbm>> -> memref<96xf32, #tpu.memory_space<hbm>>
      tpu.enqueue_dma source(%arg12 : memref<96xf32, #tpu.memory_space<vmem>>) target(%dma_start3A_111 : memref<96xf32, #tpu.memory_space<hbm>>) target_semaphore(%run_scoped3A : memref<!tpu.dma_semaphore, #tpu.memory_space<semaphore_mem>>)
      %dma_wait3A_112 = arith.constant 0 : i32
      %dma_wait3A_113 = tpu.memref_slice %arg5[%add3A, %dma_wait3A_112] : memref<32x96xf32, #tpu.memory_space<hbm>> -> memref<1x96xf32, #tpu.memory_space<hbm>>
      %dma_wait3A_114 = tpu.memref_squeeze %dma_wait3A_113 : memref<1x96xf32, #tpu.memory_space<hbm>> -> memref<96xf32, #tpu.memory_space<hbm>>
      %dma_wait3A_115 = arith.constant 0 : i32
      %dma_wait3A_116 = tpu.memref_slice %arg5[%add3A, %dma_wait3A_115] : memref<32x96xf32, #tpu.memory_space<hbm>> -> memref<1x96xf32, #tpu.memory_space<hbm>>
      %dma_wait3A_117 = tpu.memref_squeeze %dma_wait3A_116 : memref<1x96xf32, #tpu.memory_space<hbm>> -> memref<96xf32, #tpu.memory_space<hbm>>
      tpu.wait_dma2 semaphore(%run_scoped3A : memref<!tpu.dma_semaphore, #tpu.memory_space<semaphore_mem>>) src(%arg12 : memref<96xf32, #tpu.memory_space<vmem>>) dst(%dma_wait3A_117 : memref<96xf32, #tpu.memory_space<hbm>>)
      tpu.yield
    }) : () -> ()
    return
  }
}

module attributes {stable_mosaic.version = 14 : i64} {
  func.func @_tc_body(%arg0: i32, %arg1: memref<512x512xf32, #tpu.memory_space<vmem>>, %arg2: memref<512x512xi32, #tpu.memory_space<vmem>>, %arg3: memref<512x512xf32, #tpu.memory_space<vmem>>, %arg4: memref<6xf32, #tpu.memory_space<smem>>, %arg5: memref<6x8x512xf32, #tpu.memory_space<vmem>>) attributes {dimension_semantics = [#tpu.dimension_semantics<arbitrary>], iteration_bounds = array<i64: 12>, scalar_prefetch = 0 : i64, scratch_operands = 1 : i64, tpu.core_type = #tpu.core_type<tc>, window_params = [{transform_indices = @transform_0, window_bounds = array<i64: 512, 512>}, {transform_indices = @transform_1, window_bounds = array<i64: 512, 512>}, {transform_indices = @transform_2, window_bounds = array<i64: 512, 512>}, {transform_indices = @transform_3, window_bounds = array<i64: 6>}]} {
    %eq3A = arith.constant 0 : i32
    %eq3A_0 = arith.cmpi eq, %arg0, %eq3A : i32
    %convert_element_type3A = arith.extui %eq3A_0 : i1 to i32
    %cond3A = arith.constant 0 : i32
    %cond3A_1 = arith.cmpi ne, %convert_element_type3A, %cond3A : i32
    scf.if %cond3A_1 {
      %broadcast_in_dim3A = arith.constant 0.000000e+00 : f32
      %broadcast_in_dim3A_76 = vector.broadcast %broadcast_in_dim3A : f32 to vector<6x8x512xf32>
      %swap3A_77 = arith.constant 0 : index
      %swap3A_78 = arith.constant 0 : index
      %swap3A_79 = arith.constant 0 : index
      %swap3A_80 = vector.load %arg5[%swap3A_77, %swap3A_78, %swap3A_79] : memref<6x8x512xf32, #tpu.memory_space<vmem>>, vector<6x8x512xf32>
      tpu.vector_store %arg5[%swap3A_77, %swap3A_78, %swap3A_79], %broadcast_in_dim3A_76 {strides = array<i32>} : memref<6x8x512xf32, #tpu.memory_space<vmem>>, vector<6x8x512xf32>,
    } else {
    }
    %get3A = arith.constant 0 : index
    %get3A_2 = arith.constant 0 : index
    %get3A_3 = arith.constant 0 : index
    %get3A_4 = vector.load %arg5[%get3A, %get3A_2, %get3A_3] : memref<6x8x512xf32, #tpu.memory_space<vmem>>, vector<1x8x512xf32>
    %get3A_5 = vector.shape_cast %get3A_4 : vector<1x8x512xf32> to vector<8x512xf32>
    %get3A_6 = arith.constant 1 : index
    %get3A_7 = arith.constant 0 : index
    %get3A_8 = arith.constant 0 : index
    %get3A_9 = vector.load %arg5[%get3A_6, %get3A_7, %get3A_8] : memref<6x8x512xf32, #tpu.memory_space<vmem>>, vector<1x8x512xf32>
    %get3A_10 = vector.shape_cast %get3A_9 : vector<1x8x512xf32> to vector<8x512xf32>
    %get3A_11 = arith.constant 2 : index
    %get3A_12 = arith.constant 0 : index
    %get3A_13 = arith.constant 0 : index
    %get3A_14 = vector.load %arg5[%get3A_11, %get3A_12, %get3A_13] : memref<6x8x512xf32, #tpu.memory_space<vmem>>, vector<1x8x512xf32>
    %get3A_15 = vector.shape_cast %get3A_14 : vector<1x8x512xf32> to vector<8x512xf32>
    %get3A_16 = arith.constant 3 : index
    %get3A_17 = arith.constant 0 : index
    %get3A_18 = arith.constant 0 : index
    %get3A_19 = vector.load %arg5[%get3A_16, %get3A_17, %get3A_18] : memref<6x8x512xf32, #tpu.memory_space<vmem>>, vector<1x8x512xf32>
    %get3A_20 = vector.shape_cast %get3A_19 : vector<1x8x512xf32> to vector<8x512xf32>
    %get3A_21 = arith.constant 4 : index
    %get3A_22 = arith.constant 0 : index
    %get3A_23 = arith.constant 0 : index
    %get3A_24 = vector.load %arg5[%get3A_21, %get3A_22, %get3A_23] : memref<6x8x512xf32, #tpu.memory_space<vmem>>, vector<1x8x512xf32>
    %get3A_25 = vector.shape_cast %get3A_24 : vector<1x8x512xf32> to vector<8x512xf32>
    %get3A_26 = arith.constant 5 : index
    %get3A_27 = arith.constant 0 : index
    %get3A_28 = arith.constant 0 : index
    %get3A_29 = vector.load %arg5[%get3A_26, %get3A_27, %get3A_28] : memref<6x8x512xf32, #tpu.memory_space<vmem>>, vector<1x8x512xf32>
    %get3A_30 = vector.shape_cast %get3A_29 : vector<1x8x512xf32> to vector<8x512xf32>
    %scan3A = arith.constant 0 : i32
    %scan3A_31 = arith.constant 64 : i32
    %scan3A_32 = arith.addi %scan3A, %scan3A_31 : i32
    %scan3A_33 = arith.constant 1 : i32
    %scan3A_34:6 = scf.for %scan3A_76 = %scan3A to %scan3A_32 step %scan3A_33 iter_args(%scan3A_77 = %get3A_5, %scan3A_78 = %get3A_10, %scan3A_79 = %get3A_15, %scan3A_80 = %get3A_20, %scan3A_81 = %get3A_25, %scan3A_82 = %get3A_30) -> (vector<8x512xf32>, vector<8x512xf32>, vector<8x512xf32>, vector<8x512xf32>, vector<8x512xf32>, vector<8x512xf32>)  : i32 {
      %mul3A = arith.constant 8 : i32
      %mul3A_83 = arith.muli %scan3A_76, %mul3A : i32
      %get3A_84 = arith.index_cast %mul3A_83 : i32 to index
      %get3A_85 = arith.constant 0 : index
      %get3A_86 = vector.load %arg1[%get3A_84, %get3A_85] : memref<512x512xf32, #tpu.memory_space<vmem>>, vector<8x512xf32>
      %get3A_87 = arith.index_cast %mul3A_83 : i32 to index
      %get3A_88 = arith.constant 0 : index
      %get3A_89 = vector.load %arg2[%get3A_87, %get3A_88] : memref<512x512xi32, #tpu.memory_space<vmem>>, vector<8x512xi32>
      %convert_element_type3A_90 = arith.sitofp %get3A_89 : vector<8x512xi32> to vector<8x512xf32>
      %get3A_91 = arith.index_cast %mul3A_83 : i32 to index
      %get3A_92 = arith.constant 0 : index
      %get3A_93 = vector.load %arg3[%get3A_91, %get3A_92] : memref<512x512xf32, #tpu.memory_space<vmem>>, vector<8x512xf32>
      %mul3A_94 = arith.mulf %get3A_86, %convert_element_type3A_90 : vector<8x512xf32>
      %sub3A = arith.subf %get3A_86, %mul3A_94 : vector<8x512xf32>
      %mul3A_95 = arith.constant -7.500000e+00 : f32
      %mul3A_96 = vector.broadcast %mul3A_95 : f32 to vector<8x512xf32>
      %mul3A_97 = arith.mulf %mul3A_96, %get3A_93 : vector<8x512xf32>
      %add3A = arith.constant 0.949999988 : f32
      %add3A_98 = vector.broadcast %add3A : f32 to vector<8x512xf32>
      %add3A_99 = arith.addf %mul3A_97, %add3A_98 : vector<8x512xf32>
      %max3A = arith.constant 2.000000e-01 : f32
      %max3A_100 = vector.broadcast %max3A : f32 to vector<8x512xf32>
      %max3A_101 = arith.maximumf %add3A_99, %max3A_100 : vector<8x512xf32>
      %gt3A = arith.constant 8.000000e-01 : f32
      %gt3A_102 = vector.broadcast %gt3A : f32 to vector<8x512xf32>
      %gt3A_103 = arith.cmpf ogt, %add3A_99, %gt3A_102 : vector<8x512xf32>
      %jit3A = arith.constant 1.000000e+00 : f32
      %broadcast_in_dim3A = vector.broadcast %jit3A : f32 to vector<8x512xf32>
      %select_n3A = arith.select %gt3A_103, %broadcast_in_dim3A, %max3A_101 : vector<8x512xi1>, vector<8x512xf32>
      %mul3A_104 = arith.mulf %mul3A_94, %get3A_86 : vector<8x512xf32>
      %mul3A_105 = arith.mulf %get3A_86, %get3A_86 : vector<8x512xf32>
      %mul3A_106 = arith.mulf %sub3A, %select_n3A : vector<8x512xf32>
      %add3A_107 = arith.addf %scan3A_77, %convert_element_type3A_90 : vector<8x512xf32>
      %add3A_108 = arith.addf %scan3A_78, %mul3A_94 : vector<8x512xf32>
      %add3A_109 = arith.addf %scan3A_79, %mul3A_104 : vector<8x512xf32>
      %add3A_110 = arith.addf %scan3A_80, %get3A_86 : vector<8x512xf32>
      %add3A_111 = arith.addf %scan3A_81, %mul3A_105 : vector<8x512xf32>
      %add3A_112 = arith.addf %scan3A_82, %mul3A_106 : vector<8x512xf32>
      scf.yield %add3A_107, %add3A_108, %add3A_109, %add3A_110, %add3A_111, %add3A_112 : vector<8x512xf32>, vector<8x512xf32>, vector<8x512xf32>, vector<8x512xf32>, vector<8x512xf32>, vector<8x512xf32>
    }
    %scan3A_35 = arith.constant 64 : i32
    %swap3A = arith.constant 0 : index
    %swap3A_36 = arith.constant 0 : index
    %swap3A_37 = arith.constant 0 : index
    %swap3A_38 = vector.load %arg5[%swap3A, %swap3A_36, %swap3A_37] : memref<6x8x512xf32, #tpu.memory_space<vmem>>, vector<1x8x512xf32>
    %swap3A_39 = vector.shape_cast %swap3A_38 : vector<1x8x512xf32> to vector<8x512xf32>
    %swap3A_40 = vector.shape_cast %scan3A_34#0 : vector<8x512xf32> to vector<1x8x512xf32>
    tpu.vector_store %arg5[%swap3A, %swap3A_36, %swap3A_37], %swap3A_40 {strides = array<i32>} : memref<6x8x512xf32, #tpu.memory_space<vmem>>, vector<1x8x512xf32>,
    %swap3A_41 = arith.constant 1 : index
    %swap3A_42 = arith.constant 0 : index
    %swap3A_43 = arith.constant 0 : index
    %swap3A_44 = vector.load %arg5[%swap3A_41, %swap3A_42, %swap3A_43] : memref<6x8x512xf32, #tpu.memory_space<vmem>>, vector<1x8x512xf32>
    %swap3A_45 = vector.shape_cast %swap3A_44 : vector<1x8x512xf32> to vector<8x512xf32>
    %swap3A_46 = vector.shape_cast %scan3A_34#1 : vector<8x512xf32> to vector<1x8x512xf32>
    tpu.vector_store %arg5[%swap3A_41, %swap3A_42, %swap3A_43], %swap3A_46 {strides = array<i32>} : memref<6x8x512xf32, #tpu.memory_space<vmem>>, vector<1x8x512xf32>,
    %swap3A_47 = arith.constant 2 : index
    %swap3A_48 = arith.constant 0 : index
    %swap3A_49 = arith.constant 0 : index
    %swap3A_50 = vector.load %arg5[%swap3A_47, %swap3A_48, %swap3A_49] : memref<6x8x512xf32, #tpu.memory_space<vmem>>, vector<1x8x512xf32>
    %swap3A_51 = vector.shape_cast %swap3A_50 : vector<1x8x512xf32> to vector<8x512xf32>
    %swap3A_52 = vector.shape_cast %scan3A_34#2 : vector<8x512xf32> to vector<1x8x512xf32>
    tpu.vector_store %arg5[%swap3A_47, %swap3A_48, %swap3A_49], %swap3A_52 {strides = array<i32>} : memref<6x8x512xf32, #tpu.memory_space<vmem>>, vector<1x8x512xf32>,
    %swap3A_53 = arith.constant 3 : index
    %swap3A_54 = arith.constant 0 : index
    %swap3A_55 = arith.constant 0 : index
    %swap3A_56 = vector.load %arg5[%swap3A_53, %swap3A_54, %swap3A_55] : memref<6x8x512xf32, #tpu.memory_space<vmem>>, vector<1x8x512xf32>
    %swap3A_57 = vector.shape_cast %swap3A_56 : vector<1x8x512xf32> to vector<8x512xf32>
    %swap3A_58 = vector.shape_cast %scan3A_34#3 : vector<8x512xf32> to vector<1x8x512xf32>
    tpu.vector_store %arg5[%swap3A_53, %swap3A_54, %swap3A_55], %swap3A_58 {strides = array<i32>} : memref<6x8x512xf32, #tpu.memory_space<vmem>>, vector<1x8x512xf32>,
    %swap3A_59 = arith.constant 4 : index
    %swap3A_60 = arith.constant 0 : index
    %swap3A_61 = arith.constant 0 : index
    %swap3A_62 = vector.load %arg5[%swap3A_59, %swap3A_60, %swap3A_61] : memref<6x8x512xf32, #tpu.memory_space<vmem>>, vector<1x8x512xf32>
    %swap3A_63 = vector.shape_cast %swap3A_62 : vector<1x8x512xf32> to vector<8x512xf32>
    %swap3A_64 = vector.shape_cast %scan3A_34#4 : vector<8x512xf32> to vector<1x8x512xf32>
    tpu.vector_store %arg5[%swap3A_59, %swap3A_60, %swap3A_61], %swap3A_64 {strides = array<i32>} : memref<6x8x512xf32, #tpu.memory_space<vmem>>, vector<1x8x512xf32>,
    %swap3A_65 = arith.constant 5 : index
    %swap3A_66 = arith.constant 0 : index
    %swap3A_67 = arith.constant 0 : index
    %swap3A_68 = vector.load %arg5[%swap3A_65, %swap3A_66, %swap3A_67] : memref<6x8x512xf32, #tpu.memory_space<vmem>>, vector<1x8x512xf32>
    %swap3A_69 = vector.shape_cast %swap3A_68 : vector<1x8x512xf32> to vector<8x512xf32>
    %swap3A_70 = vector.shape_cast %scan3A_34#5 : vector<8x512xf32> to vector<1x8x512xf32>
    tpu.vector_store %arg5[%swap3A_65, %swap3A_66, %swap3A_67], %swap3A_70 {strides = array<i32>} : memref<6x8x512xf32, #tpu.memory_space<vmem>>, vector<1x8x512xf32>,
    %eq3A_71 = arith.constant 11 : i32
    %eq3A_72 = arith.cmpi eq, %arg0, %eq3A_71 : i32
    %convert_element_type3A_73 = arith.extui %eq3A_72 : i1 to i32
    %cond3A_74 = arith.constant 0 : i32
    %cond3A_75 = arith.cmpi ne, %convert_element_type3A_73, %cond3A_74 : i32
    scf.if %cond3A_75 {
      %get3A_76 = arith.constant 0 : index
      %get3A_77 = arith.constant 0 : index
      %get3A_78 = arith.constant 0 : index
      %get3A_79 = vector.load %arg5[%get3A_76, %get3A_77, %get3A_78] : memref<6x8x512xf32, #tpu.memory_space<vmem>>, vector<1x8x512xf32>
      %get3A_80 = vector.shape_cast %get3A_79 : vector<1x8x512xf32> to vector<8x512xf32>
      %reduce_sum3A = vector.shape_cast %get3A_80 : vector<8x512xf32> to vector<1x8x512xf32>
      %reduce_sum3A_81 = arith.constant dense<0.000000e+00> : vector<1xf32>
      %reduce_sum3A_82 = vector.multi_reduction <add>, %reduce_sum3A, %reduce_sum3A_81 [1, 2] : vector<1x8x512xf32> to vector<1xf32>
      %reduce_sum3A_83 = vector.shape_cast %reduce_sum3A_82 : vector<1xf32> to vector<1x1x1xf32>
      %reduce_sum3A_84 = vector.extract %reduce_sum3A_83[0, 0, 0] : f32 from vector<1x1x1xf32>
      %swap3A_85 = arith.constant 0 : index
      %swap3A_86 = memref.load %arg4[%swap3A_85] : memref<6xf32, #tpu.memory_space<smem>>
      memref.store %reduce_sum3A_84, %arg4[%swap3A_85] : memref<6xf32, #tpu.memory_space<smem>>
      %get3A_87 = arith.constant 1 : index
      %get3A_88 = arith.constant 0 : index
      %get3A_89 = arith.constant 0 : index
      %get3A_90 = vector.load %arg5[%get3A_87, %get3A_88, %get3A_89] : memref<6x8x512xf32, #tpu.memory_space<vmem>>, vector<1x8x512xf32>
      %get3A_91 = vector.shape_cast %get3A_90 : vector<1x8x512xf32> to vector<8x512xf32>
      %reduce_sum3A_92 = vector.shape_cast %get3A_91 : vector<8x512xf32> to vector<1x8x512xf32>
      %reduce_sum3A_93 = arith.constant dense<0.000000e+00> : vector<1xf32>
      %reduce_sum3A_94 = vector.multi_reduction <add>, %reduce_sum3A_92, %reduce_sum3A_93 [1, 2] : vector<1x8x512xf32> to vector<1xf32>
      %reduce_sum3A_95 = vector.shape_cast %reduce_sum3A_94 : vector<1xf32> to vector<1x1x1xf32>
      %reduce_sum3A_96 = vector.extract %reduce_sum3A_95[0, 0, 0] : f32 from vector<1x1x1xf32>
      %swap3A_97 = arith.constant 1 : index
      %swap3A_98 = memref.load %arg4[%swap3A_97] : memref<6xf32, #tpu.memory_space<smem>>
      memref.store %reduce_sum3A_96, %arg4[%swap3A_97] : memref<6xf32, #tpu.memory_space<smem>>
      %get3A_99 = arith.constant 2 : index
      %get3A_100 = arith.constant 0 : index
      %get3A_101 = arith.constant 0 : index
      %get3A_102 = vector.load %arg5[%get3A_99, %get3A_100, %get3A_101] : memref<6x8x512xf32, #tpu.memory_space<vmem>>, vector<1x8x512xf32>
      %get3A_103 = vector.shape_cast %get3A_102 : vector<1x8x512xf32> to vector<8x512xf32>
      %reduce_sum3A_104 = vector.shape_cast %get3A_103 : vector<8x512xf32> to vector<1x8x512xf32>
      %reduce_sum3A_105 = arith.constant dense<0.000000e+00> : vector<1xf32>
      %reduce_sum3A_106 = vector.multi_reduction <add>, %reduce_sum3A_104, %reduce_sum3A_105 [1, 2] : vector<1x8x512xf32> to vector<1xf32>
      %reduce_sum3A_107 = vector.shape_cast %reduce_sum3A_106 : vector<1xf32> to vector<1x1x1xf32>
      %reduce_sum3A_108 = vector.extract %reduce_sum3A_107[0, 0, 0] : f32 from vector<1x1x1xf32>
      %swap3A_109 = arith.constant 2 : index
      %swap3A_110 = memref.load %arg4[%swap3A_109] : memref<6xf32, #tpu.memory_space<smem>>
      memref.store %reduce_sum3A_108, %arg4[%swap3A_109] : memref<6xf32, #tpu.memory_space<smem>>
      %get3A_111 = arith.constant 3 : index
      %get3A_112 = arith.constant 0 : index
      %get3A_113 = arith.constant 0 : index
      %get3A_114 = vector.load %arg5[%get3A_111, %get3A_112, %get3A_113] : memref<6x8x512xf32, #tpu.memory_space<vmem>>, vector<1x8x512xf32>
      %get3A_115 = vector.shape_cast %get3A_114 : vector<1x8x512xf32> to vector<8x512xf32>
      %reduce_sum3A_116 = vector.shape_cast %get3A_115 : vector<8x512xf32> to vector<1x8x512xf32>
      %reduce_sum3A_117 = arith.constant dense<0.000000e+00> : vector<1xf32>
      %reduce_sum3A_118 = vector.multi_reduction <add>, %reduce_sum3A_116, %reduce_sum3A_117 [1, 2] : vector<1x8x512xf32> to vector<1xf32>
      %reduce_sum3A_119 = vector.shape_cast %reduce_sum3A_118 : vector<1xf32> to vector<1x1x1xf32>
      %reduce_sum3A_120 = vector.extract %reduce_sum3A_119[0, 0, 0] : f32 from vector<1x1x1xf32>
      %swap3A_121 = arith.constant 3 : index
      %swap3A_122 = memref.load %arg4[%swap3A_121] : memref<6xf32, #tpu.memory_space<smem>>
      memref.store %reduce_sum3A_120, %arg4[%swap3A_121] : memref<6xf32, #tpu.memory_space<smem>>
      %get3A_123 = arith.constant 4 : index
      %get3A_124 = arith.constant 0 : index
      %get3A_125 = arith.constant 0 : index
      %get3A_126 = vector.load %arg5[%get3A_123, %get3A_124, %get3A_125] : memref<6x8x512xf32, #tpu.memory_space<vmem>>, vector<1x8x512xf32>
      %get3A_127 = vector.shape_cast %get3A_126 : vector<1x8x512xf32> to vector<8x512xf32>
      %reduce_sum3A_128 = vector.shape_cast %get3A_127 : vector<8x512xf32> to vector<1x8x512xf32>
      %reduce_sum3A_129 = arith.constant dense<0.000000e+00> : vector<1xf32>
      %reduce_sum3A_130 = vector.multi_reduction <add>, %reduce_sum3A_128, %reduce_sum3A_129 [1, 2] : vector<1x8x512xf32> to vector<1xf32>
      %reduce_sum3A_131 = vector.shape_cast %reduce_sum3A_130 : vector<1xf32> to vector<1x1x1xf32>
      %reduce_sum3A_132 = vector.extract %reduce_sum3A_131[0, 0, 0] : f32 from vector<1x1x1xf32>
      %swap3A_133 = arith.constant 4 : index
      %swap3A_134 = memref.load %arg4[%swap3A_133] : memref<6xf32, #tpu.memory_space<smem>>
      memref.store %reduce_sum3A_132, %arg4[%swap3A_133] : memref<6xf32, #tpu.memory_space<smem>>
      %get3A_135 = arith.constant 5 : index
      %get3A_136 = arith.constant 0 : index
      %get3A_137 = arith.constant 0 : index
      %get3A_138 = vector.load %arg5[%get3A_135, %get3A_136, %get3A_137] : memref<6x8x512xf32, #tpu.memory_space<vmem>>, vector<1x8x512xf32>
      %get3A_139 = vector.shape_cast %get3A_138 : vector<1x8x512xf32> to vector<8x512xf32>
      %reduce_sum3A_140 = vector.shape_cast %get3A_139 : vector<8x512xf32> to vector<1x8x512xf32>
      %reduce_sum3A_141 = arith.constant dense<0.000000e+00> : vector<1xf32>
      %reduce_sum3A_142 = vector.multi_reduction <add>, %reduce_sum3A_140, %reduce_sum3A_141 [1, 2] : vector<1x8x512xf32> to vector<1xf32>
      %reduce_sum3A_143 = vector.shape_cast %reduce_sum3A_142 : vector<1xf32> to vector<1x1x1xf32>
      %reduce_sum3A_144 = vector.extract %reduce_sum3A_143[0, 0, 0] : f32 from vector<1x1x1xf32>
      %swap3A_145 = arith.constant 5 : index
      %swap3A_146 = memref.load %arg4[%swap3A_145] : memref<6xf32, #tpu.memory_space<smem>>
      memref.store %reduce_sum3A_144, %arg4[%swap3A_145] : memref<6xf32, #tpu.memory_space<smem>>
    } else {
    }
    return
  }
  func.func @transform_0(%arg0: i32) -> (i32, i32) {
    %add3A = arith.constant 4 : i32
    %add3A_0 = arith.addi %add3A, %arg0 : i32
    %c0_i32 = arith.constant 0 : i32
    %c0_i32_1 = arith.constant 0 : i32
    return %add3A_0, %c0_i32 : i32, i32
  }
  func.func @transform_1(%arg0: i32) -> (i32, i32) {
    %add3A = arith.constant 4 : i32
    %add3A_0 = arith.addi %add3A, %arg0 : i32
    %c0_i32 = arith.constant 0 : i32
    %c0_i32_1 = arith.constant 0 : i32
    return %add3A_0, %c0_i32 : i32, i32
  }
  func.func @transform_2(%arg0: i32) -> (i32, i32) {
    %add3A = arith.constant 4 : i32
    %add3A_0 = arith.addi %add3A, %arg0 : i32
    %c0_i32 = arith.constant 0 : i32
    %c0_i32_1 = arith.constant 0 : i32
    return %add3A_0, %c0_i32 : i32, i32
  }
  func.func @transform_3(%arg0: i32) -> i32 {
    %c0_i32 = arith.constant 0 : i32
    %c0_i32_0 = arith.constant 0 : i32
    return %c0_i32 : i32
  }
}

module attributes {stable_mosaic.version = 14 : i64} {
  func.func @_finish_body(%arg0: memref<32x96xf32, #tpu.memory_space<vmem>>, %arg1: memref<6xf32, #tpu.memory_space<smem>>, %arg2: memref<1xf32, #tpu.memory_space<smem>>) attributes {dimension_semantics = [], scalar_prefetch = 0 : i64, scratch_operands = 0 : i64, tpu.core_type = #tpu.core_type<tc>} {
    %get3A = arith.constant 0 : index
    %get3A_0 = arith.constant 0 : index
    %get3A_1 = vector.load %arg0[%get3A, %get3A_0] : memref<32x96xf32, #tpu.memory_space<vmem>>, vector<32x96xf32>
    %slice3A = vector.extract_strided_slice %get3A_1 {offsets = [0, 0], sizes = [32, 16], strides = [1, 1]} : vector<32x96xf32> to vector<32x16xf32>
    %reduce_sum3A = vector.shape_cast %slice3A : vector<32x16xf32> to vector<1x32x16xf32>
    %reduce_sum3A_2 = arith.constant dense<0.000000e+00> : vector<1xf32>
    %reduce_sum3A_3 = vector.multi_reduction <add>, %reduce_sum3A, %reduce_sum3A_2 [1, 2] : vector<1x32x16xf32> to vector<1xf32>
    %reduce_sum3A_4 = vector.shape_cast %reduce_sum3A_3 : vector<1xf32> to vector<1x1x1xf32>
    %reduce_sum3A_5 = vector.extract %reduce_sum3A_4[0, 0, 0] : f32 from vector<1x1x1xf32>
    %get3A_6 = arith.constant 0 : index
    %get3A_7 = memref.load %arg1[%get3A_6] : memref<6xf32, #tpu.memory_space<smem>>
    %add3A = arith.addf %reduce_sum3A_5, %get3A_7 : f32
    %slice3A_8 = vector.extract_strided_slice %get3A_1 {offsets = [0, 16], sizes = [32, 16], strides = [1, 1]} : vector<32x96xf32> to vector<32x16xf32>
    %reduce_sum3A_9 = vector.shape_cast %slice3A_8 : vector<32x16xf32> to vector<1x32x16xf32>
    %reduce_sum3A_10 = arith.constant dense<0.000000e+00> : vector<1xf32>
    %reduce_sum3A_11 = vector.multi_reduction <add>, %reduce_sum3A_9, %reduce_sum3A_10 [1, 2] : vector<1x32x16xf32> to vector<1xf32>
    %reduce_sum3A_12 = vector.shape_cast %reduce_sum3A_11 : vector<1xf32> to vector<1x1x1xf32>
    %reduce_sum3A_13 = vector.extract %reduce_sum3A_12[0, 0, 0] : f32 from vector<1x1x1xf32>
    %get3A_14 = arith.constant 1 : index
    %get3A_15 = memref.load %arg1[%get3A_14] : memref<6xf32, #tpu.memory_space<smem>>
    %add3A_16 = arith.addf %reduce_sum3A_13, %get3A_15 : f32
    %slice3A_17 = vector.extract_strided_slice %get3A_1 {offsets = [0, 32], sizes = [32, 16], strides = [1, 1]} : vector<32x96xf32> to vector<32x16xf32>
    %reduce_sum3A_18 = vector.shape_cast %slice3A_17 : vector<32x16xf32> to vector<1x32x16xf32>
    %reduce_sum3A_19 = arith.constant dense<0.000000e+00> : vector<1xf32>
    %reduce_sum3A_20 = vector.multi_reduction <add>, %reduce_sum3A_18, %reduce_sum3A_19 [1, 2] : vector<1x32x16xf32> to vector<1xf32>
    %reduce_sum3A_21 = vector.shape_cast %reduce_sum3A_20 : vector<1xf32> to vector<1x1x1xf32>
    %reduce_sum3A_22 = vector.extract %reduce_sum3A_21[0, 0, 0] : f32 from vector<1x1x1xf32>
    %get3A_23 = arith.constant 2 : index
    %get3A_24 = memref.load %arg1[%get3A_23] : memref<6xf32, #tpu.memory_space<smem>>
    %add3A_25 = arith.addf %reduce_sum3A_22, %get3A_24 : f32
    %slice3A_26 = vector.extract_strided_slice %get3A_1 {offsets = [0, 48], sizes = [32, 16], strides = [1, 1]} : vector<32x96xf32> to vector<32x16xf32>
    %reduce_sum3A_27 = vector.shape_cast %slice3A_26 : vector<32x16xf32> to vector<1x32x16xf32>
    %reduce_sum3A_28 = arith.constant dense<0.000000e+00> : vector<1xf32>
    %reduce_sum3A_29 = vector.multi_reduction <add>, %reduce_sum3A_27, %reduce_sum3A_28 [1, 2] : vector<1x32x16xf32> to vector<1xf32>
    %reduce_sum3A_30 = vector.shape_cast %reduce_sum3A_29 : vector<1xf32> to vector<1x1x1xf32>
    %reduce_sum3A_31 = vector.extract %reduce_sum3A_30[0, 0, 0] : f32 from vector<1x1x1xf32>
    %get3A_32 = arith.constant 3 : index
    %get3A_33 = memref.load %arg1[%get3A_32] : memref<6xf32, #tpu.memory_space<smem>>
    %add3A_34 = arith.addf %reduce_sum3A_31, %get3A_33 : f32
    %slice3A_35 = vector.extract_strided_slice %get3A_1 {offsets = [0, 64], sizes = [32, 16], strides = [1, 1]} : vector<32x96xf32> to vector<32x16xf32>
    %reduce_sum3A_36 = vector.shape_cast %slice3A_35 : vector<32x16xf32> to vector<1x32x16xf32>
    %reduce_sum3A_37 = arith.constant dense<0.000000e+00> : vector<1xf32>
    %reduce_sum3A_38 = vector.multi_reduction <add>, %reduce_sum3A_36, %reduce_sum3A_37 [1, 2] : vector<1x32x16xf32> to vector<1xf32>
    %reduce_sum3A_39 = vector.shape_cast %reduce_sum3A_38 : vector<1xf32> to vector<1x1x1xf32>
    %reduce_sum3A_40 = vector.extract %reduce_sum3A_39[0, 0, 0] : f32 from vector<1x1x1xf32>
    %get3A_41 = arith.constant 4 : index
    %get3A_42 = memref.load %arg1[%get3A_41] : memref<6xf32, #tpu.memory_space<smem>>
    %add3A_43 = arith.addf %reduce_sum3A_40, %get3A_42 : f32
    %slice3A_44 = vector.extract_strided_slice %get3A_1 {offsets = [0, 80], sizes = [32, 16], strides = [1, 1]} : vector<32x96xf32> to vector<32x16xf32>
    %reduce_sum3A_45 = vector.shape_cast %slice3A_44 : vector<32x16xf32> to vector<1x32x16xf32>
    %reduce_sum3A_46 = arith.constant dense<0.000000e+00> : vector<1xf32>
    %reduce_sum3A_47 = vector.multi_reduction <add>, %reduce_sum3A_45, %reduce_sum3A_46 [1, 2] : vector<1x32x16xf32> to vector<1xf32>
    %reduce_sum3A_48 = vector.shape_cast %reduce_sum3A_47 : vector<1xf32> to vector<1x1x1xf32>
    %reduce_sum3A_49 = vector.extract %reduce_sum3A_48[0, 0, 0] : f32 from vector<1x1x1xf32>
    %get3A_50 = arith.constant 5 : index
    %get3A_51 = memref.load %arg1[%get3A_50] : memref<6xf32, #tpu.memory_space<smem>>
    %add3A_52 = arith.addf %reduce_sum3A_49, %get3A_51 : f32
    %sub3A = arith.constant 0x4A800000 : f32
    %sub3A_53 = arith.subf %sub3A, %add3A : f32
    %div3A = arith.divf %add3A_16, %add3A : f32
    %mul3A = arith.mulf %add3A_16, %add3A_16 : f32
    %div3A_54 = arith.divf %mul3A, %add3A : f32
    %sub3A_55 = arith.subf %add3A_25, %div3A_54 : f32
    %sub3A_56 = arith.constant 1.000000e+00 : f32
    %sub3A_57 = arith.subf %add3A, %sub3A_56 : f32
    %div3A_58 = arith.divf %sub3A_55, %sub3A_57 : f32
    %sub3A_59 = arith.subf %add3A_34, %add3A_16 : f32
    %sub3A_60 = arith.subf %add3A_43, %add3A_25 : f32
    %div3A_61 = arith.divf %add3A_52, %sub3A_53 : f32
    %mul3A_62 = arith.mulf %sub3A_59, %sub3A_59 : f32
    %div3A_63 = arith.divf %mul3A_62, %sub3A_53 : f32
    %sub3A_64 = arith.subf %sub3A_60, %div3A_63 : f32
    %sub3A_65 = arith.constant 1.000000e+00 : f32
    %sub3A_66 = arith.subf %sub3A_53, %sub3A_65 : f32
    %div3A_67 = arith.divf %sub3A_64, %sub3A_66 : f32
    %sub3A_68 = arith.constant 8.000000e-01 : f32
    %sub3A_69 = arith.subf %sub3A_68, %div3A : f32
    %max3A = arith.constant 0.000000e+00 : f32
    %max3A_70 = arith.maximumf %sub3A_69, %max3A : f32
    %mul3A_71 = arith.constant 1.000000e-01 : f32
    %mul3A_72 = arith.mulf %mul3A_71, %div3A_58 : f32
    %add3A_73 = arith.addf %max3A_70, %mul3A_72 : f32
    %add3A_74 = arith.addf %add3A_73, %div3A_61 : f32
    %mul3A_75 = arith.constant 1.000000e+00 : f32
    %mul3A_76 = arith.mulf %mul3A_75, %div3A_67 : f32
    %add3A_77 = arith.addf %add3A_74, %mul3A_76 : f32
    %swap3A = arith.constant 0 : index
    %swap3A_78 = memref.load %arg2[%swap3A] : memref<1xf32, #tpu.memory_space<smem>>
    memref.store %add3A_77, %arg2[%swap3A] : memref<1xf32, #tpu.memory_space<smem>>
    return
  }
}

</mosaic_0001>

<sc_bundles>
// kernel: kernel.5.cloned.1.call-start
scs
__scs_entry_jumppad:
0x0: {  	(pc) =	sbr.rel $0x88, $3  }
0x1: {  	(tag) =	ssettag $0x0;
	lr =	simm.s32 $0x1  }
0x2: {  	[smem:$0x3F9E] =	sst lr;
	_ =	strace $0xD0000000  }
0x3: {  	_ = 	snop  }
0x4: {  	_ = 	snop  }
0x5: {  	_ = 	snop  }
0x6: {  	_ = 	snop  }
0x7: {  	_ = 	snop  }
__scs_overlays_trampoline_lowered:
0x8: {  	[smem:$0x3FAD] =	sst s0  }
0x9: {  	[smem:$0x3FAE] =	sst s1  }
0xa: {  	[smem:$0x3FAF] =	sst s2  }
0xb: {  	[smem:$0x3FB0] =	sst s3  }
0xc: {  	[smem:$0x3FB1] =	sst s4  }
0xd: {  	[smem:$0x3FB2] =	sst s5  }
0xe: {  	[smem:$0x3FB3] =	sst s6  }
0xf: {  	[smem:$0x3FB4] =	sst s7  }
0x10: {  	[smem:$0x3FB5] =	sst s8  }
0x11: {  	[smem:$0x3FB6] =	sst s9;
	s0 =	simm.s32 @!p0 $0x0  }
0x12: {  	s1 =	sld [smem:$0x3F9C];
	s0 =	simm.s32 @p0 $0x1  }
0x13: {  	[smem:$0x3FB7] =	sst s0;
	s0 =	simm.s32 @!p1 $0x0  }
0x14: {  	s2 =	sld [smem:$0x3F9B];
	s0 =	simm.s32 @p1 $0x1  }
0x15: {  	[smem:$0x3FB8] =	sst s0;
	s0 =	simm.s32 @!p2 $0x0  }
0x16: {  	s3 =	sld [smem:$0x3FDB];
	s0 =	simm.s32 @p2 $0x1  }
0x17: {  	s4 =	simm.s32 $0x1BF5;
	[smem:$0x3FBA] =	sst s0  }
0x18: {  	s0 =	sld [smem:$0x3F9D];
	_ =	swait.ge [sflag:s4], $0x0  }
0x19: {  	s7 =	sld [smem:$0x3F9E]  }
0x1a: {  	s8 =	sadd.s32 $0xFFFFE003, lr  }
0x1b: {  	s9 =	sadd.s32 $0xFFFFFEF7, lr;
	s5 =	simm.s32 $0xFFFFFFFF;
	p2 =	slt.u32 s8, $0xFFFFF086  }
0x1c: {  	p1 =	slt.u32 s9, $0xF7A;
	s5 =	simm.s32 @!p2 $0x0  }
0x1d: {  	s5 =	simm.s32 @p1 $0x1;
	p0 =	seq.s32 s7, s2  }
0x1e: {  	s7 =	smul.u32 @!p0 $0xF7A, s2;
	p2 =	seq.s32 @!p0 s5, $0x0  }
0x1f: {  	s9 =	smul.u32 $0xF7A, s1;
	s8 =	simm.s32 @!p0 $0x1BF5;
	p2 =	por !p2, p0  }
0x20: {  	[sflag:s8] =	ssyncset.s32 @!p0 $0xFFFFF086;
	s6 =	sadd.s32 @!p0 s3, s7;
	s7 =	simm.s32 @!p0 $0x108  }
0x21: {  	s3 =	sadd.s32 s3, s9;
	s6 =	sadd.s32 @!p0 $0x88, s6;
	s7 =	simm.s32 @p2 $0x1082  }
0x22: {  	[simem:s7], [sflag:s8] =	dma.local @!p0 [hbm:s6], $0xF7A  }
0x23: {  	s9 =	sor.u32 $0xD0000000, s2;
	s6 =	simm.s32 $0x108;
	_ =	swait.ge @!p0 [sflag:s8], $0x0  }
0x24: {  	s3 =	sadd.s32 $0x88, s3;
	s6 =	simm.s32 @!p1 $0x1082;
	[sflag:s4] =	ssyncset.s32 $0xFFFFF086  }
0x25: {  	[simem:s6], [sflag:s4] =	dma.local [hbm:s3], $0xF7A  }
0x26: {  	[smem:$0x3F9E] =	sst s1;
	(tag) =	ssettag s2;
	_ =	strace s9  }
0x27: {  	s1 =	sld [smem:$0x3FAE]  }
0x28: {  	s2 =	sld [smem:$0x3FAF]  }
0x29: {  	s4 =	sld [smem:$0x3FB1]  }
0x2a: {  	p0 =	seq.s32 s5, $0x0;
	s5 =	sld [smem:$0x3FB2]  }
0x2b: {  	s6 =	sld [smem:$0x3FB3]  }
0x2c: {  	s7 =	sld [smem:$0x3FB4]  }
0x2d: {  	s3 =	simm.s32 $0x108;
	s8 =	sld [smem:$0x3FB5]  }
0x2e: {  	s3 =	simm.s32 @!p0 $0x1082;
	s9 =	sld [smem:$0x3FB6]  }
0x2f: {  	lr =	sadd.s32 s0, s3;
	s0 =	sld [smem:$0x3FAD]  }
0x30: {  	s3 =	sld [smem:$0x3FB0]  }
0x31: {  	[smem:$0x3FB9] =	sst s10  }
0x32: {  	s10 =	sld [smem:$0x3FB7];
	_ =	sdelay $0x3  }
0x33: {  	p0 =	seq.s32 s10, $0x1;
	s10 =	sld [smem:$0x3FB9];
	_ =	sdelay $0x3  }
0x34: {  	[smem:$0x3FB9] =	sst s10  }
0x35: {  	s10 =	sld [smem:$0x3FB8];
	_ =	sdelay $0x3  }
0x36: {  	p1 =	seq.s32 s10, $0x1;
	s10 =	sld [smem:$0x3FB9];
	_ =	sdelay $0x3  }
0x37: {  	[smem:$0x3FB9] =	sst s10  }
0x38: {  	s10 =	sld [smem:$0x3FBA]  }
0x39: {  	_ = 	snop;
	(pc) =	sbr.ind lr, $3  }
0x3a: {  	_ = 	snop  }
0x3b: {  	_ = 	snop  }
0x3c: {  	p2 =	seq.s32 s10, $0x1;
	s10 =	sld [smem:$0x3FB9]  }
0x3d: {  	_ =	shalt  }
0x3e: {  	_ =	shalt  }
0x3f: {  	_ =	shalt  }
0x40: {  	_ =	shalt  }
0x41: {  	_ =	shalt  }
0x42: {  	_ =	shalt  }
0x43: {  	_ =	shalt  }
0x44: {  	_ =	shalt  }
0x45: {  	_ =	shalt  }
0x46: {  	_ =	shalt  }
0x47: {  	_ =	shalt  }
0x48: {  	_ =	shalt  }
0x49: {  	_ =	shalt  }
0x4a: {  	_ =	shalt  }
0x4b: {  	_ =	shalt  }
0x4c: {  	_ =	shalt  }
0x4d: {  	_ =	shalt  }
0x4e: {  	_ =	shalt  }
0x4f: {  	_ =	shalt  }
0x50: {  	_ =	shalt  }
0x51: {  	_ =	shalt  }
0x52: {  	_ =	shalt  }
0x53: {  	_ =	shalt  }
0x54: {  	_ =	shalt  }
0x55: {  	_ =	shalt  }
0x56: {  	_ =	shalt  }
0x57: {  	_ =	shalt  }
0x58: {  	_ =	shalt  }
0x59: {  	_ =	shalt  }
0x5a: {  	_ =	shalt  }
0x5b: {  	_ =	shalt  }
0x5c: {  	_ =	shalt  }
0x5d: {  	_ =	shalt  }
0x5e: {  	_ =	shalt  }
0x5f: {  	_ =	shalt  }
0x60: {  	_ =	shalt  }
0x61: {  	_ =	shalt  }
0x62: {  	_ =	shalt  }
0x63: {  	_ =	shalt  }
0x64: {  	_ =	shalt  }
0x65: {  	_ =	shalt  }
0x66: {  	_ =	shalt  }
0x67: {  	_ =	shalt  }
0x68: {  	_ =	shalt  }
0x69: {  	_ =	shalt  }
0x6a: {  	_ =	shalt  }
0x6b: {  	_ =	shalt  }
0x6c: {  	_ =	shalt  }
0x6d: {  	_ =	shalt  }
0x6e: {  	_ =	shalt  }
0x6f: {  	_ =	shalt  }
0x70: {  	_ =	shalt  }
0x71: {  	_ =	shalt  }
0x72: {  	_ =	shalt  }
0x73: {  	_ =	shalt  }
0x74: {  	_ =	shalt  }
0x75: {  	_ =	shalt  }
0x76: {  	_ =	shalt  }
0x77: {  	_ =	shalt  }
0x78: {  	_ =	shalt  }
0x79: {  	_ =	shalt  }
0x7a: {  	_ =	shalt  }
0x7b: {  	_ =	shalt  }
0x7c: {  	_ =	shalt  }
0x7d: {  	_ =	shalt  }
0x7e: {  	_ =	shalt  }
0x7f: {  	_ =	shalt  }
0x80: {  	_ =	shalt  }
0x81: {  	_ =	shalt  }
0x82: {  	_ =	shalt  }
0x83: {  	_ =	shalt  }
0x84: {  	_ =	shalt  }
0x85: {  	_ =	shalt  }
0x86: {  	_ =	shalt  }
0x87: {  	_ =	shalt  }
.Lfunc_end0:
.L_simem_size_0:
called_computation_lowered:
.L_overlay_start_0:
0x88: {  	s2 =	sld [smem:$0x3FD9]  }
0x89: {  	s3 =	sld [smem:$0x3FFE];
	_ =	sdelay $0x1  }
0x8a: {  	s1 =	srdreg.scid  }
0x8b: {  	s0 =	sand.u32 $0x1, s1  }
0x8c: {  	s17 =	sshll.u32 s0, $0xA;
	s2 =	sadd.s32 s3, s2  }
0x8d: {  	s2 =	sadd.s32 s2, s17  }
0x8e: {  	[smem:$0x3FC5] =	sst s2  }
0x8f: {  	_ = 	snop  }
0x90: {  	s2 =	sld [smem:$0x3FC9]  }
0x91: {  	s18 =	sld [smem:$0x3FC8]  }
0x92: {  	s4 =	sld [smem:$0x3FC7];
	(tm) =	ssettm $0x1  }
0x93: {  	s5 =	sld [smem:$0x3FFB];
	_ =	sdelay $0x3  }
0x94: {  	_ =	strace s5  }
0x95: {  	s5 =	sld [smem:$0x3FFC];
	_ =	sdelay $0x3  }
0x96: {  	_ =	strace s5  }
0x97: {  	s5 =	sld [smem:$0x3FFD];
	_ =	sdelay $0x3  }
0x98: {  	_ =	strace s5  }
0x99: {  	_ =	strace $0x8FFFFFFF  }
0x9a: {  	s19 =	sld [smem:$0x3FDB];
	_ =	sdelay $0x1  }
0x9b: {  	s6 =	simm.s32 $_scs_section_size  }
0x9c: {  	s7 =	simm.s32 $_size__tile_overlayer_lowered;
	s8 =	simm.s32 $_tile_overlayer_lowered  }
0x9d: {  	s22 =	simm.s32 $0x1BFF;
	s21 =	sshll.u32 s8, $0x1;
	s5 =	sadd.s32 s6, s19  }
0x9e: {  	s9 =	simm.s32 $0x0;
	s20 =	sshll.u32 s7, $0x1;
	s7 =	sadd.s32 s21, s5  }
0x9f: {  	[timem:s9], [sflag:s22] =	dma.local [hbm:s7], s20  }
0xa0: {  	_ =	swait.ge [sflag:s22], s20  }
0xa1: {  	s6 =	ssub.s32 $0x0, s20;
	[sflag:s22] =	ssyncset.done $0x0  }
0xa2: {  	[sflag:s22] =	ssyncadd.s32 s6;
	_ =	sdelay $0x1  }
0xa3: {  	s23 =	simm.s32 $0x1B8B  }
0xa4: {  	_ =	swait.ge [sflag:s23], $0x1  }
0xa5: {  	[sflag:s23] =	ssyncset.done $0x0  }
0xa6: {  	s25 =	simm.s32 $0x1B8E;
	s24 =	sld [smem:$0x3FFE];
	[sflag:s23] =	ssyncadd.s32 $0xFFFFFFFF  }
0xa7: {  	s26 =	simm.s32 $execute0_lowered;
	[smem:$0x3FD2] =	sst s25  }
0xa8: {  	s7 =	sshll.u32 s26, $0x1;
	_ =	strace $0x80000046;
	[dreg:$0x1] =	wrdreg $0xFFFFFFFF  }
0xa9: {  	s28 =	simm.s32 $_size_execute0_lowered;
	s5 =	sadd.s32 s5, s7;
	[dreg:$0x0] =	wrdreg $0x0  }
0xaa: {  	s7 =	sshll.u32 s28, $0x1;
	[dreg:$0x2] =	wrdreg s5  }
0xab: {  	[dreg:$0x3] =	wrdreg s7  }
0xac: {  	[dreg:$0x4] =	wrdreg $0xC0  }
0xad: {  	_ =	task [dreg:s9], $0x5FFFF  }
0xae: {  	[dreg:$0x1] =	wrdreg $0xFFFFFFFF  }
0xaf: {  	[dreg:$0x0] =	wrdreg $0x60  }
0xb0: {  	[dreg:$0x2] =	wrdreg s2  }
0xb1: {  	[dreg:$0x3] =	wrdreg s18  }
0xb2: {  	[dreg:$0x4] =	wrdreg s4  }
0xb3: {  	[dreg:$0x5] =	wrdreg s24  }
0xb4: {  	[dreg:$0x6] =	wrdreg $0x9  }
0xb5: {  	_ =	task.clear_ibuf [dreg:s9], $0x7FFFF;
	_ =	strace $0x90000046  }
0xb6: {  	s29 =	simm.s32 $0x9;
	_ =	strace $0x80000048  }
0xb7: {  	_ =	swait.ge [sflag:s29], $0x1  }
0xb8: {  	[sflag:s29] =	ssyncadd.s32 $0xFFFFFFFF  }
0xb9: {  	_ =	strace $0x90000048  }
0xba: {  	_ =	sfence  }
0xbb: {  	s30 =	sld [smem:$0x0];
	_ =	sdelay $0x2  }
0xbc: {  	s31 =	sshll.u32 s1, $0xD;
	s1 =	sshrl.u32 s1, $0x2  }
0xbd: {  	s3 =	sand.u32 $0x4000, s31;
	s1 =	sadd.s32 s1, s30  }
0xbe: {  	s0 =	sor.u32 s3, s0;
	s1 =	sshll.u32 s1, $0x11  }
0xbf: {  	s0 =	sor.u32 s1, s0  }
0xc0: {  	s0 =	sadd.s32 $0x8F2B, s0  }
0xc1: {  	[sflag:s0] =	ssyncadd.remote.s32 $0x1  }
0xc2: {  	_ =	sfence.sel $0xFFFF  }
0xc3: {  	[dreg:$0x0] =	wrdreg $0xFFFFFFFF;
	(pc) =	sbr.abs _section_cstart, $3  }
0xc4: {  	[dreg:$0x1] =	wrdreg $0xFFFFFFFF  }
0xc5: {  	_ =	task.clear_ibuf [dreg:s9], $0x2FFFF;
	_ =	strace $0x9FFFFFFF  }
0xc6: {  	(tm) =	ssettm $0x7FFFFFFF  }
0xc7: {  	_ =	shalt  }
tec
execute0_lowered:
.L_overlay_start_1:
0x0: {  	(tag) =	ssettag $0x1  }
0x1: {  	s6 =	rddreg [dreg:$0x0]  }
0x2: {  	s7 =	rddreg [dreg:$0x1]  }
0x3: {  	s8 =	rddreg [dreg:$0x2]  }
0x4: {  	s3 =	rddreg [dreg:$0x3]  }
0x5: {  	s0 =	rddreg [dreg:$0x4]  }
0x6: {  	s2 =	simm.s32 $0x0;
	s4 =	srdreg.scid;
	s1 =	stileid.u32  }
0x7: {  	s12 =	simm.s32 $0x8000;
	s13 =	simm.s32 $0x1;
	s14 =	simm.s32 $0xC000  }
0x8: {  	s15 =	simm.s32 $0x10000;
	s16 =	simm.s32 $0x14000;
	s17 =	simm.s32 $0x2  }
0x9: {  	s18 =	simm.s32 $0x18000;
	s19 =	simm.s32 $0x3;
	s20 =	simm.s32 $0x0  }
0xa: {  	[smem:$0x7FF] =	sst s2;
	s4 =	sand.u32 $0x1, s4;
	s5 =	sshll.u32 s1, $0x1  }
0xb: {  	_ =	strace $0x80000047;
	s5 =	sor.u32 s4, s5;
	s4 =	ssub.s32 $0x2, s4  }
0xc: {  	s9 =	sshll.u32 s5, $0x4;
	s10 =	sshrl.u32 s4, $0x1;
	s11 =	sshll.u32 s5, $0xC  }
0xd: {  	s9 =	sadd.s32 s9, s3;
	s10 =	ssub.s32 s4, s10;
	s3 =	sadd.s32 s6, s11  }
0xe: {  	s4 =	sadd.s32 s7, s11;
	s5 =	sadd.s32 s8, s11;
	s11 =	sor.u32 $0x800, s11  }
0xf: {  	s6 =	sadd.s32 s6, s11;
	s7 =	sadd.s32 s7, s11;
	s8 =	sadd.s32 s8, s11  }
0x10: {  	s9 =	sadd.s32 $0x800, s9;
	s10 =	smax.u32 s10, $0x1;
	s11 =	simm.s32 $0x4000  }
.LBB2_1:
0x11: {  	[tilespmem:s2], [sflag:$0x1] =	stream.linear.gather [hbm4b:s3+s2], $0x4000, $0x38;
	[tilespmem:$0x18080] =	vst v63  }
0x12: {  	_ = 	snop  }
0x13: {  	[tilespmem:s11], [sflag:$0x1] =	stream.linear.gather [hbm4b:s4+s2], $0x4000, $0x38;
	[tilespmem:$0x18080] =	vst v63  }
0x14: {  	_ = 	snop  }
0x15: {  	[tilespmem:s12], [sflag:$0x1] =	stream.linear.gather [hbm4b:s5+s2], $0x4000, $0x38;
	[tilespmem:$0x18080] =	vst v63  }
0x16: {  	_ =	swait.ge [sflag:s13], $0x4000  }
0x17: {  	[sflag:s13] =	ssyncset.done $0x0  }
0x18: {  	[sflag:s13] =	ssyncadd.s32 $0xFFFFC000  }
0x19: {  	_ =	swait.ge [sflag:s13], $0x4000  }
0x1a: {  	[sflag:s13] =	ssyncset.done $0x0  }
0x1b: {  	[sflag:s13] =	ssyncadd.s32 $0xFFFFC000  }
0x1c: {  	s21 =	sand.u32 $0x40, s2;
	s22 =	simm.s32 $0x0;
	_ =	swait.ge [sflag:s13], $0x4000  }
0x1d: {  	s23 =	sand.u32 $0xC00, s2;
	s24 =	simm.s32 $0x0;
	[sflag:s13] =	ssyncset.done $0x0  }
0x1e: {  	s22 =	sand.u32 $0x3000, s22;
	s21 =	sor.u32 s21, s23;
	[sflag:s13] =	ssyncadd.s32 $0xFFFFC000  }
0x1f: {  	[tilespmem:s14], [sflag:$0x2] =	stream.linear.gather [hbm4b:s6+s2], $0x4000, $0x38;
	[tilespmem:$0x18080] =	vst v63  }
0x20: {  	s31 =	sand.u32 $0x380, s24;
	s21 =	sor.u32 s22, s21  }
0x21: {  	[tilespmem:s15], [sflag:$0x2] =	stream.linear.gather [hbm4b:s7+s2], $0x4000, $0x38;
	[tilespmem:$0x18080] =	vst v63  }
0x22: {  	s21 =	sor.u32 s31, s21  }
0x23: {  	[tilespmem:s16], [sflag:$0x2] =	stream.linear.gather [hbm4b:s8+s2], $0x4000, $0x38;
	[tilespmem:$0x18080] =	vst v63  }
0x24: {  	v14 =	vld [tilespmem:s21+$0x20]  }
0x25: {  	v15 =	vld [tilespmem:s21+$0x30]  }
0x26: {  	v25 =	vld [tilespmem:s21+$0x0]  }
0x27: {  	v16 =	vld [tilespmem:s21+$0x10]  }
0x28: {  	v4 =	vld [tilespmem:s21+$0x8030]  }
0x29: {  	v6 =	vld [tilespmem:s21+$0x4030]  }
0x2a: {  	v7 =	vld [tilespmem:s21+$0x4000]  }
0x2b: {  	v8 =	vld [tilespmem:s21+$0x8020]  }
0x2c: {  	v13 =	vimm.f32 $0.0e+00;
	v24 =	vimm.f32 $0.0e+00;
	v22 =	vimm.f32 $0.0e+00;
	v19 =	vld [tilespmem:s21+$0x8000]  }
0x2d: {  	v26 =	vimm.f32 $0.0e+00;
	v23 =	vimm.f32 $0.0e+00;
	v21 =	vld [tilespmem:s21+$0x4010];
	v1 =	vmul.f32 v14, v14  }
0x2e: {  	v2 =	vmul.f32 v15, v15;
	v12 =	vadd.f32 v14, v13;
	v3 =	vmul.f32 v25, v25  }
0x2f: {  	v0 =	vadd.f32 v25, v13;
	v9 =	vmul.f32 v16, v16;
	v18 =	vmul.f32 $7.500000000e+00, v4  }
0x30: {  	v10 =	vld [tilespmem:s21+$0x4020];
	v4 =	vadd.f32 v15, v13;
	v6 =	vcvt.s32.f32 v6;
	v7 =	vcvt.s32.f32 v7  }
0x31: {  	v17 =	vld [tilespmem:s21+$0x8010];
	v5 =	vadd.f32 v16, v13;
	v20 =	vmul.f32 $7.500000000e+00, v8;
	v35 =	vmul.f32 $7.500000000e+00, v19  }
0x32: {  	v32 =	vcvt.s32.f32 v21;
	v19 =	vimm.f32 $0.0e+00;
	v1 =	vadd.f32 v1, v13  }
0x33: {  	v21 =	vimm.f32 $0.0e+00;
	v2 =	vadd.f32 v2, v13;
	v3 =	vadd.f32 v3, v13  }
0x34: {  	v11 =	vadd.f32 v9, v13;
	v18 =	vsub.f32 $9.499999880e-01, v18;
	v27 =	vmul.f32 v6, v15  }
0x35: {  	v6 =	vadd.f32 v6, v13;
	v33 =	vmul.f32 v7, v25;
	v9 =	vcvt.s32.f32 v10  }
0x36: {  	v7 =	vadd.f32 v7, v13;
	v10 =	vmul.f32 $7.500000000e+00, v17;
	v37 =	vsub.f32 $9.499999880e-01, v20  }
0x37: {  	v17 =	vimm.f32 $0.0e+00;
	v20 =	vimm.f32 $0.0e+00;
	v28 =	vsub.f32 v15, v27  }
0x38: {  	v8 =	vadd.f32 v33, v13;
	v29 =	vmul.f32 v9, v14;
	v9 =	vadd.f32 v9, v13  }
0x39: {  	v34 =	vmax.f32 v18, $2.000000030e-01;
	v30 =	vsub.f32 v25, v33;
	v36 =	vsub.f32 $9.499999880e-01, v10  }
0x3a: {  	vm0 =	vgt.f32 v18, $8.000000110e-01;
	v10 =	vadd.f32 v27, v13;
	v18 =	vimm.f32 $0.0e+00  }
0x3b: {  	s25 =	simm.s32 $0x1;
	s22 =	simm.s32 $0x200;
	s21 =	simm.s32 $0x40;
	v31 =	vsub.f32 v14, v29;
	v38 =	vmul.f32 v29, v14;
	v14 =	vimm.f32 $0.0e+00  }
.LBB2_2:
0x3c: {  	s23 =	sand.u32 $0x40, s21  }
0x3d: {  	s24 =	sshll.u32 s25, $0x6;
	s26 =	sand.u32 $0xC00, s22;
	v25 =	vmul.f32 v33, v25;
	vm1 =	vgt.f32 v36, $8.000000110e-01;
	v33 =	vsel vm0, $0x3F800000, v34;
	s28 =	smov.u32 s25  }
0x3e: {  	v34 =	vmul.f32 v32, v16;
	v36 =	vmax.f32 v36, $2.000000030e-01;
	s24 =	sand.u32 $0x3000, s24;
	s28 =	sshll.u32 s25, $0x4;
	s23 =	sor.u32 s23, s26;
	vm0 =	vgt.f32 v37, $8.000000110e-01  }
0x3f: {  	v35 =	vsub.f32 $9.499999880e-01, v35;
	v37 =	vmax.f32 v37, $2.000000030e-01;
	v13 =	vadd.f32 v38, v13;
	s26 =	sand.u32 $0x380, s28;
	s24 =	sor.u32 s24, s23;
	s23 =	sadd.s32 $0x1, s25  }
0x40: {  	p0 =	sne.s32 s25, $0xFF;
	v14 =	vadd.f32 v25, v14;
	v25 =	vsub.f32 v16, v34;
	v16 =	vmul.f32 v34, v16;
	s24 =	sor.u32 s26, s24  }
0x41: {  	v36 =	vsel vm1, $0x3F800000, v36;
	v39 =	vmax.f32 v35, $2.000000030e-01;
	v37 =	vsel vm0, $0x3F800000, v37;
	v38 =	vld [tilespmem:s24+$0x20]  }
0x42: {  	v28 =	vmul.f32 v33, v28;
	vm0 =	vgt.f32 v35, $8.000000110e-01;
	v35 =	vmul.f32 v36, v25;
	v40 =	vld [tilespmem:s24+$0x30]  }
0x43: {  	v15 =	vmul.f32 v27, v15;
	v17 =	vadd.f32 v34, v17;
	v24 =	vadd.f32 v16, v24;
	v25 =	vld [tilespmem:s24+$0x0]  }
0x44: {  	v19 =	vadd.f32 v32, v19;
	v27 =	vsel vm0, $0x3F800000, v39;
	v22 =	vadd.f32 v35, v22;
	v16 =	vld [tilespmem:s24+$0x10]  }
0x45: {  	v20 =	vadd.f32 v29, v20;
	v18 =	vadd.f32 v28, v18;
	v27 =	vmul.f32 v27, v30;
	v32 =	vld [tilespmem:s24+$0x8030]  }
0x46: {  	v26 =	vadd.f32 v15, v26;
	v29 =	vmul.f32 v37, v31;
	v12 =	vadd.f32 v38, v12;
	v28 =	vld [tilespmem:s24+$0x4030]  }
0x47: {  	v21 =	vadd.f32 v27, v21;
	v31 =	vmul.f32 v38, v38;
	v30 =	vld [tilespmem:s24+$0x4000];
	v33 =	vmul.f32 v40, v40;
	v15 =	vmovc v40  }
0x48: {  	v23 =	vadd.f32 v29, v23;
	v27 =	vmul.f32 v25, v25;
	v0 =	vadd.f32 v25, v0;
	v34 =	vld [tilespmem:s24+$0x8020]  }
0x49: {  	v1 =	vadd.f32 v31, v1;
	v29 =	vmul.f32 v16, v16;
	v35 =	vld [tilespmem:s24+$0x4020];
	v2 =	vadd.f32 v33, v2  }
0x4a: {  	v4 =	vadd.f32 v15, v4;
	v3 =	vadd.f32 v27, v3;
	v31 =	vld [tilespmem:s24+$0x8010];
	v27 =	vmul.f32 $7.500000000e+00, v32  }
0x4b: {  	v5 =	vadd.f32 v16, v5;
	v11 =	vadd.f32 v29, v11;
	v28 =	vcvt.s32.f32 v28  }
0x4c: {  	v29 =	vcvt.s32.f32 v30;
	v32 =	vld [tilespmem:s24+$0x4010];
	v37 =	vsub.f32 $9.499999880e-01, v27  }
0x4d: {  	v39 =	vld [tilespmem:s24+$0x8000];
	v40 =	vmul.f32 $7.500000000e+00, v34;
	v27 =	vmul.f32 v28, v15;
	v6 =	vadd.f32 v28, v6  }
0x4e: {  	v33 =	vmul.f32 v29, v25;
	v30 =	vcvt.s32.f32 v35;
	v34 =	vmax.f32 v37, $2.000000030e-01  }
.Ltmp0:
0x4f: {  	v7 =	vadd.f32 v29, v7;
	v31 =	vmul.f32 $7.500000000e+00, v31;
	v28 =	vsub.f32 v15, v27;
	(pc) =	sbr.rel @p0 .LBB2_2-.Ltmp0, $4  }
0x50: {  	v8 =	vadd.f32 v33, v8;
	v29 =	vmul.f32 v30, v38;
	v9 =	vadd.f32 v30, v9  }
0x51: {  	vm0 =	vgt.f32 v37, $8.000000110e-01;
	v30 =	vsub.f32 v25, v33;
	v36 =	vsub.f32 $9.499999880e-01, v31  }
0x52: {  	v10 =	vadd.f32 v27, v10;
	v32 =	vcvt.s32.f32 v32;
	v35 =	vmul.f32 $7.500000000e+00, v39  }
0x53: {  	s21 =	sadd.s32 $0x40, s21;
	s22 =	sadd.s32 $0x200, s22;
	s25 =	smov.u32 s23;
	v37 =	vsub.f32 $9.499999880e-01, v40;
	v31 =	vsub.f32 v38, v29;
	v38 =	vmul.f32 v29, v38  }
0x54: {  	_ =	swait.ge [sflag:s17], $0x4000  }
0x55: {  	[sflag:s17] =	ssyncset.done $0x0  }
0x56: {  	[sflag:s17] =	ssyncadd.s32 $0xFFFFC000  }
0x57: {  	s21 =	simm.s32 $0x0;
	_ =	swait.ge [sflag:s17], $0x4000  }
0x58: {  	s23 =	simm.s32 $0x0;
	s24 =	simm.s32 $0x0;
	[sflag:s17] =	ssyncset.done $0x0  }
0x59: {  	s22 =	sand.u32 $0x40, s21;
	s21 =	sand.u32 $0xC00, s21;
	[sflag:s17] =	ssyncadd.s32 $0xFFFFC000  }
0x5a: {  	v25 =	vmul.f32 v33, v25;
	v49 =	vmul.f32 v32, v16;
	s23 =	sand.u32 $0x3000, s23;
	s21 =	sor.u32 s22, s21;
	_ =	swait.ge [sflag:s17], $0x4000  }
0x5b: {  	vm1 =	vgt.f32 v36, $8.000000110e-01;
	v48 =	vsel vm0, $0x3F800000, v34;
	s31 =	sand.u32 $0x380, s24;
	s21 =	sor.u32 s23, s21;
	[sflag:s17] =	ssyncset.done $0x0  }
0x5c: {  	v50 =	vmax.f32 v36, $2.000000030e-01;
	v14 =	vadd.f32 v25, v14;
	v25 =	vsub.f32 v16, v49;
	s21 =	sor.u32 s31, s21;
	[sflag:s17] =	ssyncadd.s32 $0xFFFFC000  }
0x5d: {  	v35 =	vsub.f32 $9.499999880e-01, v35;
	v52 =	vmul.f32 v49, v16;
	v16 =	vsel vm1, $0x3F800000, v50;
	v40 =	vld [tilespmem:s21+$0xC020]  }
0x5e: {  	v54 =	vmul.f32 v27, v15;
	vm0 =	vgt.f32 v37, $8.000000110e-01;
	v36 =	vmul.f32 v16, v25;
	v25 =	vld [tilespmem:s21+$0xC030]  }
0x5f: {  	v51 =	vmax.f32 v37, $2.000000030e-01;
	v33 =	vmul.f32 v48, v28;
	v39 =	vmax.f32 v35, $2.000000030e-01;
	v28 =	vld [tilespmem:s21+$0xC000]  }
0x60: {  	vm1 =	vgt.f32 v35, $8.000000110e-01;
	v53 =	vsel vm0, $0x3F800000, v51;
	v16 =	vadd.f32 v49, v17;
	v27 =	vld [tilespmem:s21+$0xC010]  }
0x61: {  	v15 =	vadd.f32 v36, v22;
	v22 =	vadd.f32 v29, v20;
	v29 =	vmul.f32 v53, v31;
	v31 =	vld [tilespmem:s21+$0x14030]  }
0x62: {  	v17 =	vadd.f32 v52, v24;
	v24 =	vsel vm1, $0x3F800000, v39;
	v20 =	vadd.f32 v54, v26;
	v26 =	vld [tilespmem:s21+$0x10030]  }
0x63: {  	v30 =	vmul.f32 v24, v30;
	v24 =	vadd.f32 v33, v18;
	v18 =	vadd.f32 v29, v23;
	v29 =	vld [tilespmem:s21+$0x10000]  }
0x64: {  	v57 =	vld [tilespmem:s21+$0x14020]  }
0x65: {  	v19 =	vadd.f32 v32, v19;
	v59 =	vld [tilespmem:s21+$0x10020]  }
0x66: {  	v21 =	vadd.f32 v30, v21;
	v62 =	vld [tilespmem:s21+$0x14000];
	v30 =	vmul.f32 v40, v40;
	v55 =	vmul.f32 v25, v25  }
0x67: {  	v13 =	vadd.f32 v38, v13;
	v60 =	vld [tilespmem:s21+$0x10010];
	v56 =	vmul.f32 v28, v28;
	v58 =	vmul.f32 v27, v27  }
0x68: {  	v12 =	vadd.f32 v40, v12;
	v31 =	vmul.f32 $7.500000000e+00, v31;
	v26 =	vcvt.s32.f32 v26  }
0x69: {  	v23 =	vadd.f32 v28, v0;
	v29 =	vcvt.s32.f32 v29;
	v63 =	vmul.f32 $7.500000000e+00, v57  }
0x6a: {  	v36 =	vcvt.s32.f32 v59;
	v1 =	vadd.f32 v30, v1;
	v0 =	vadd.f32 v55, v2  }
0x6b: {  	v35 =	vmul.f32 $7.500000000e+00, v62;
	v3 =	vadd.f32 v56, v3;
	v30 =	vld [tilespmem:s21+$0x14010];
	v2 =	vadd.f32 v25, v4  }
0x6c: {  	v32 =	vcvt.s32.f32 v60;
	v4 =	vadd.f32 v27, v5;
	v5 =	vadd.f32 v58, v11  }
0x6d: {  	v61 =	vsub.f32 $9.499999880e-01, v31;
	v11 =	vmul.f32 v26, v25;
	v6 =	vadd.f32 v26, v6  }
0x6e: {  	v33 =	vmul.f32 v29, v28;
	v7 =	vadd.f32 v29, v7;
	v26 =	vmul.f32 v36, v40  }
0x6f: {  	v9 =	vadd.f32 v36, v9;
	v37 =	vsub.f32 $9.499999880e-01, v63;
	v34 =	vmax.f32 v61, $2.000000030e-01  }
0x70: {  	v31 =	vsub.f32 v25, v11;
	v8 =	vadd.f32 v33, v8;
	v30 =	vmul.f32 $7.500000000e+00, v30  }
0x71: {  	v29 =	vsub.f32 v28, v33;
	vm0 =	vgt.f32 v61, $8.000000110e-01;
	v10 =	vadd.f32 v11, v10  }
0x72: {  	s25 =	simm.s32 $0x1;
	s22 =	simm.s32 $0x200;
	s21 =	simm.s32 $0x40;
	v38 =	vmul.f32 v26, v40;
	v36 =	vsub.f32 $9.499999880e-01, v30;
	v30 =	vsub.f32 v40, v26  }
.LBB2_4:
0x73: {  	s23 =	sand.u32 $0x40, s21  }
0x74: {  	s24 =	sshll.u32 s25, $0x6;
	s26 =	sand.u32 $0xC00, s22;
	v28 =	vmul.f32 v33, v28;
	vm1 =	vgt.f32 v36, $8.000000110e-01;
	v33 =	vsel vm0, $0x3F800000, v34;
	s28 =	smov.u32 s25  }
0x75: {  	v34 =	vmul.f32 v32, v27;
	v36 =	vmax.f32 v36, $2.000000030e-01;
	s24 =	sand.u32 $0x3000, s24;
	s28 =	sshll.u32 s25, $0x4;
	s23 =	sor.u32 s23, s26;
	vm0 =	vgt.f32 v37, $8.000000110e-01  }
0x76: {  	v35 =	vsub.f32 $9.499999880e-01, v35;
	v37 =	vmax.f32 v37, $2.000000030e-01;
	v13 =	vadd.f32 v38, v13;
	s26 =	sand.u32 $0x380, s28;
	s24 =	sor.u32 s24, s23;
	s23 =	sadd.s32 $0x1, s25  }
0x77: {  	p0 =	sne.s32 s25, $0xFF;
	v14 =	vadd.f32 v28, v14;
	v28 =	vsub.f32 v27, v34;
	v27 =	vmul.f32 v34, v27;
	s24 =	sor.u32 s26, s24  }
0x78: {  	v36 =	vsel vm1, $0x3F800000, v36;
	v39 =	vmax.f32 v35, $2.000000030e-01;
	v37 =	vsel vm0, $0x3F800000, v37;
	v38 =	vld [tilespmem:s24+$0xC020]  }
0x79: {  	v31 =	vmul.f32 v33, v31;
	vm0 =	vgt.f32 v35, $8.000000110e-01;
	v35 =	vmul.f32 v36, v28;
	v40 =	vld [tilespmem:s24+$0xC030]  }
0x7a: {  	v11 =	vmul.f32 v11, v25;
	v16 =	vadd.f32 v34, v16;
	v17 =	vadd.f32 v27, v17;
	v28 =	vld [tilespmem:s24+$0xC000]  }
0x7b: {  	v19 =	vadd.f32 v32, v19;
	v25 =	vsel vm0, $0x3F800000, v39;
	v15 =	vadd.f32 v35, v15;
	v27 =	vld [tilespmem:s24+$0xC010]  }
0x7c: {  	v22 =	vadd.f32 v26, v22;
	v24 =	vadd.f32 v31, v24;
	v33 =	vmul.f32 v25, v29;
	v32 =	vld [tilespmem:s24+$0x14030]  }
0x7d: {  	v20 =	vadd.f32 v11, v20;
	v29 =	vmul.f32 v37, v30;
	v12 =	vadd.f32 v38, v12;
	v26 =	vld [tilespmem:s24+$0x10030]  }
0x7e: {  	v21 =	vadd.f32 v33, v21;
	v30 =	vmul.f32 v38, v38;
	v11 =	vld [tilespmem:s24+$0x10000];
	v31 =	vmul.f32 v40, v40;
	v25 =	vmovc v40  }
0x7f: {  	v18 =	vadd.f32 v29, v18;
	v33 =	vmul.f32 v28, v28;
	v23 =	vadd.f32 v28, v23;
	v34 =	vld [tilespmem:s24+$0x14020]  }
0x80: {  	v1 =	vadd.f32 v30, v1;
	v29 =	vmul.f32 v27, v27;
	v35 =	vld [tilespmem:s24+$0x10020];
	v0 =	vadd.f32 v31, v0  }
0x81: {  	v2 =	vadd.f32 v25, v2;
	v3 =	vadd.f32 v33, v3;
	v30 =	vld [tilespmem:s24+$0x14010];
	v31 =	vmul.f32 $7.500000000e+00, v32  }
0x82: {  	v4 =	vadd.f32 v27, v4;
	v5 =	vadd.f32 v29, v5;
	v26 =	vcvt.s32.f32 v26  }
0x83: {  	v29 =	vcvt.s32.f32 v11;
	v32 =	vld [tilespmem:s24+$0x10010];
	v37 =	vsub.f32 $9.499999880e-01, v31  }
0x84: {  	v39 =	vld [tilespmem:s24+$0x14000];
	v40 =	vmul.f32 $7.500000000e+00, v34;
	v11 =	vmul.f32 v26, v25;
	v6 =	vadd.f32 v26, v6  }
0x85: {  	v33 =	vmul.f32 v29, v28;
	v35 =	vcvt.s32.f32 v35;
	v34 =	vmax.f32 v37, $2.000000030e-01  }
.Ltmp1:
0x86: {  	v7 =	vadd.f32 v29, v7;
	v30 =	vmul.f32 $7.500000000e+00, v30;
	v31 =	vsub.f32 v25, v11;
	(pc) =	sbr.rel @p0 .LBB2_4-.Ltmp1, $4  }
0x87: {  	v8 =	vadd.f32 v33, v8;
	v26 =	vmul.f32 v35, v38;
	v9 =	vadd.f32 v35, v9  }
0x88: {  	vm0 =	vgt.f32 v37, $8.000000110e-01;
	v29 =	vsub.f32 v28, v33;
	v36 =	vsub.f32 $9.499999880e-01, v30  }
0x89: {  	v10 =	vadd.f32 v11, v10;
	v32 =	vcvt.s32.f32 v32;
	v35 =	vmul.f32 $7.500000000e+00, v39  }
0x8a: {  	s21 =	sadd.s32 $0x40, s21;
	s22 =	sadd.s32 $0x200, s22;
	s25 =	smov.u32 s23;
	v37 =	vsub.f32 $9.499999880e-01, v40;
	v30 =	vsub.f32 v38, v26;
	v38 =	vmul.f32 v26, v38  }
0x8b: {  	v28 =	vmul.f32 v33, v28  }
0x8c: {  	vm1 =	vgt.f32 v36, $8.000000110e-01;
	v48 =	vsel vm0, $0x3F800000, v34;
	v49 =	vmul.f32 v32, v27  }
0x8d: {  	v50 =	vmax.f32 v36, $2.000000030e-01;
	v35 =	vsub.f32 $9.499999880e-01, v35;
	v19 =	vadd.f32 v32, v19  }
0x8e: {  	v11 =	vmul.f32 v11, v25;
	v22 =	vadd.f32 v26, v22;
	v4 =	vadd.f32 v4, v23  }
0x8f: {  	v3 =	vadd.f32 v5, v3;
	vm14 =	vgt.f32 v37, $8.000000110e-01;
	v51 =	vmax.f32 v37, $2.000000030e-01  }
0x90: {  	v13 =	vadd.f32 v38, v13;
	v36 =	vsel vm1, $0x3F800000, v50;
	v31 =	vmul.f32 v48, v31  }
0x91: {  	v14 =	vadd.f32 v28, v14;
	v52 =	vsub.f32 v27, v49;
	v53 =	vmul.f32 v49, v27  }
0x92: {  	v54 =	vmax.f32 v35, $2.000000030e-01;
	v37 =	vsel vm14, $0x3F800000, v51;
	v16 =	vadd.f32 v49, v16  }
0x93: {  	vm15 =	vgt.f32 v35, $8.000000110e-01;
	v7 =	vadd.f32 v19, v7;
	v11 =	vadd.f32 v11, v20  }
0x94: {  	v4 =	vadd.f32 v12, v4;
	v1 =	vadd.f32 v1, v3;
	v55 =	vsel vm15, $0x3F800000, v54  }
0x95: {  	v24 =	vadd.f32 v31, v24;
	v28 =	vmul.f32 v36, v52;
	v17 =	vadd.f32 v53, v17  }
0x96: {  	v25 =	vmul.f32 v55, v29;
	v8 =	vadd.f32 v16, v8;
	v7 =	vadd.f32 v9, v7  }
0x97: {  	v56 =	vmul.f32 v37, v30;
	v2 =	vadd.f32 v2, v4;
	v0 =	vadd.f32 v0, v1  }
0x98: {  	v15 =	vadd.f32 v28, v15;
	v57 =	vadd.f32 v25, v21  }
0x99: {  	v58 =	vadd.f32 v56, v18;
	v59 =	vadd.f32 v17, v14  }
0x9a: {  	v8 =	vadd.f32 v22, v8;
	v60 =	vadd.f32 v15, v57  }
0x9b: {  	v6 =	vadd.f32 v6, v7;
	[tilespmem:$0x18030] =	vst v2;
	v7 =	vadd.f32 v13, v59  }
0x9c: {  	[tilespmem:$0x18040] =	vst v0;
	v8 =	vadd.f32 v10, v8;
	v62 =	vadd.f32 v58, v60  }
0x9d: {  	[tilespmem:$0x18000] =	vst v6;
	v61 =	vadd.f32 v11, v7  }
0x9e: {  	s20 =	sadd.s32 $0x1, s20;
	[tilespmem:$0x18010] =	vst v8;
	v63 =	vadd.f32 v24, v62  }
0x9f: {  	p0 =	sne.s32 s20, s10;
	[tilespmem:$0x18020] =	vst v61  }
.Ltmp2:
0xa0: {  	[tilespmem:$0x18050] =	vst v63;
	(pc) =	sbr.rel @p0 .LBB2_1-.Ltmp2, $4  }
0xa1: {  	[hbm4b:s9+s2] =	stream.linear.scatter [tilespmem:s18], [sflag:$0x3], $0x80, $0x38;
	[tilespmem:$0x18080] =	vst v63  }
0xa2: {  	_ =	swait.ge [sflag:s19], $0x80  }
0xa3: {  	[sflag:s19] =	ssyncset.done $0x0  }
0xa4: {  	[sflag:s19] =	ssyncadd.s32 $0xFFFFFF80  }
0xa5: {  	_ =	sfence.sel $0x180000  }
0xa6: {  	[bflag:$0x0] =	sbarrier.arrive $0xFFFF  }
0xa7: {  	p0 =	sne.s32 s1, $0x0;
	_ =	strace $0x90000047  }
0xa8: {  	s0 =	sadd.s32 @!p0 $0x100000, s0;
	[bflag:$0x2] =	sbarrier.arrive $0xFFFF  }
0xa9: {  	[sflag:s0] =	ssyncadd.tile.s32 @!p0 $0x1;
	_ =	shalt  }
.Lfunc_end2:
_tile_overlayer_lowered:
.L_overlay_start_2:
0xaa: {  	(tag) =	ssettag $0x2  }
0xab: {  	s0 =	rddreg [dreg:$0x0];
	s2 =	stileid.u32  }
0xac: {  	s1 =	rddreg [dreg:$0x1];
	p0 =	sne.s32 s2, $0x0  }
0xad: {  	s3 =	rddreg [dreg:$0x2];
	[bflag:$0x3] =	sbarrier.arrive $0xFFFF;
	s2 =	simm.s32 @!p0 $0x1C03  }
0xae: {  	[timem:s3], [sflag:s2] =	dma.local @!p0 [hbm:s0], s1  }
0xaf: {  	s0 =	simm.s32 @!p0 $0x3  }
0xb0: {  	_ =	swait.ge @!p0 [sflag:s0], s1  }
0xb1: {  	s1 =	ssub.s32 @!p0 $0x0, s1;
	[sflag:s0] =	ssyncset.done @!p0 $0x0  }
0xb2: {  	[sflag:s0] =	ssyncadd.s32 @!p0 s1  }
0xb3: {  	[bflag:$0x3] =	sbarrier.arrive $0xFFFF  }
0xb4: {  	_ =	shalt  }

</sc_bundles>
